<compile_context>
chip_gen: v7x
topology: tpu7x:2x2x1
jax: 0.10.2.dev20260603
libtpu: 0.0.44.dev20260713+nightly
codegen_flags: <defaults>
</compile_context>

<pallas_src>
import functools

import jax
import jax.numpy as jnp
from jax import lax
from jax.experimental import pallas as pl
from jax.experimental.pallas import tpu as pltpu
from jax.experimental.pallas import tpu_sc as plsc

K = 1024
DIM = 32
HW = 1024
B = 32
BB = 2
COMMITMENT_COST = 0.25

_NC = 2
_NS = 16
_GROUPS = HW // 16


def _argmin_body(z_ref, emb_ref, idx_ref, loss_ref):
    step = pl.program_id(0)
    emb = emb_ref[...]
    emb_m2 = emb * -2.0
    e2 = jnp.sum(emb * emb, axis=1)
    part = jnp.zeros((1, 1), jnp.float32)
    for i in range(BB):
        z = z_ref[i]
        x2 = jnp.sum(z * z, axis=0)
        dt = jax.lax.dot_general(
            z, emb_m2, (((0,), (1,)), ((), ())),
            preferred_element_type=jnp.float32)
        d = (x2[:, None] + e2[None, :]) + dt
        minv = jnp.min(d, axis=1)
        ciota = jax.lax.broadcasted_iota(jnp.int32, (HW, K), 1)
        is_min = d == minv[:, None]
        idx = jnp.min(jnp.where(is_min, ciota, K), axis=1)
        idx_ref[i] = idx[:, None]
        part = part + jnp.sum(minv).reshape(1, 1)

    @pl.when(step == 0)
    def _():
        loss_ref[...] = part

    @pl.when(step != 0)
    def _():
        loss_ref[...] += part


_SC_MESH = plsc.VectorSubcoreMesh(core_axis_name="c", subcore_axis_name="s")


@functools.partial(
    pl.kernel,
    mesh=_SC_MESH,
    compiler_params=pltpu.CompilerParams(needs_layout_passes=False),
    out_type=jax.ShapeDtypeStruct((B * DIM, HW), jnp.float32),
    scratch_types=[
        pltpu.VMEM((K * DIM,), jnp.float32),
        pltpu.VMEM((HW,), jnp.int32),
        pltpu.VMEM((DIM, HW), jnp.float32),
    ],
)
def _sc_gather(emb_hbm, idx_hbm, out_hbm, emb_v, idx_v, slab_v):
    wid = lax.axis_index("s") * _NC + lax.axis_index("c")
    pltpu.sync_copy(emb_hbm, emb_v)
    pltpu.sync_copy(idx_hbm.at[wid], idx_v)

    @plsc.parallel_loop(0, _GROUPS, unroll=4)
    def _(g):
        pix = idx_v[pl.ds(g * 16, 16)]
        base = pix * DIM
        for c in range(DIM):
            vals = plsc.load_gather(emb_v, [base + c])
            slab_v[c, pl.ds(g * 16, 16)] = vals
    pltpu.sync_copy(slab_v, out_hbm.at[pl.ds(wid * DIM, DIM)])


def kernel(z_e, emb_weight):
    z3 = z_e.reshape(B, DIM, HW)
    idx3, loss_raw = pl.pallas_call(
        _argmin_body,
        grid=(B // BB,),
        in_specs=[
            pl.BlockSpec((BB, DIM, HW), lambda b: (b, 0, 0)),
            pl.BlockSpec((K, DIM), lambda b: (0, 0)),
        ],
        out_specs=[
            pl.BlockSpec((BB, HW, 1), lambda b: (b, 0, 0)),
            pl.BlockSpec((1, 1), lambda b: (0, 0)),
        ],
        out_shape=[
            jax.ShapeDtypeStruct((B, HW, 1), jnp.int32),
            jax.ShapeDtypeStruct((1, 1), jnp.float32),
        ],
    )(z3, emb_weight)
    zq2 = _sc_gather(emb_weight.reshape(K * DIM), idx3.reshape(B, HW))
    z_q_st = zq2.reshape(z_e.shape)
    loss = loss_raw[0, 0] * ((1.0 + COMMITMENT_COST) / (B * DIM * HW))
    return (z_q_st, loss)

# --- scband reference (transcript-rebuilt; emitter-appended) ---
"""Pipeline reference for scband-vector-quantizer-17025250361846 (READ-ONLY COPY).

The authoritative reference and input builder live on the scoring server;
editing this copy changes nothing except your own understanding.
"""

import jax, jax.numpy as jnp
import numpy as np

NUM_EMBEDDINGS = 1024
EMBEDDING_DIM = 32
COMMITMENT_COST = 0.25


def setup_inputs(seed: int = 0) -> dict:
    key = jax.random.key(seed)
    k1, k2 = jax.random.split(key)
    z_e = jax.random.normal(k1, (32, 32, 32, 32), dtype=jnp.float32)
    # nn.Embedding weight initialized uniform(-1/K, 1/K)
    emb_weight = jax.random.uniform(
        k2, (NUM_EMBEDDINGS, EMBEDDING_DIM), dtype=jnp.float32,
        minval=-1.0 / NUM_EMBEDDINGS, maxval=1.0 / NUM_EMBEDDINGS)
    return {"z_e": z_e, "emb_weight": emb_weight}


def reference(z_e, emb_weight):
    B, C, H, W = z_e.shape
    # (B,C,H,W) -> (B,H,W,C) -> (B*H*W, C)
    flat = jnp.transpose(z_e, (0, 2, 3, 1)).reshape(-1, EMBEDDING_DIM)
    x2 = jnp.sum(flat ** 2, axis=1, keepdims=True)
    e2 = jnp.sum(emb_weight ** 2, axis=1)
    distances = x2 + e2 - 2.0 * jnp.matmul(flat, emb_weight.T)
    encoding_indices = jnp.argmin(distances, axis=1)
    # one_hot @ weight is exactly a row gather; use SparseCore-friendly gather
    quantised = jnp.take(emb_weight, encoding_indices, axis=0).reshape(B, H, W, C)
    z_q = jnp.transpose(quantised, (0, 3, 1, 2))
    e_latent_loss = jnp.mean((jax.lax.stop_gradient(z_q) - z_e) ** 2)
    q_latent_loss = jnp.mean((z_q - jax.lax.stop_gradient(z_e)) ** 2)
    loss = q_latent_loss + COMMITMENT_COST * e_latent_loss
    z_q_st = z_e + jax.lax.stop_gradient(z_q - z_e)
    return (z_q_st, loss)

if __name__ == "__main__":
    import jax
    _d = setup_inputs()
    print(jax.jit(kernel)(*tuple(_d.values())))

</pallas_src>

<mosaic_0001>
#map = affine_map<(d0, d1) -> (0)>
#map1 = affine_map<(d0, d1) -> (0, 0)>
module attributes {stable_mosaic.version = 14 : i64} {
  func.func @_sc_gather(%arg0: i32, %arg1: i32, %arg2: memref<32768xf32, #tpu.memory_space<hbm>>, %arg3: memref<32x1024xi32, #tpu.memory_space<hbm>>, %arg4: memref<1024x1024xf32, #tpu.memory_space<hbm>>, %arg5: memref<32768xf32, #tpu.memory_space<vmem>>, %arg6: memref<1024xi32, #tpu.memory_space<vmem>>, %arg7: memref<32x1024xf32, #tpu.memory_space<vmem>>) attributes {dimension_semantics = [#tpu.dimension_semantics<core_parallel>, #tpu.dimension_semantics<subcore_parallel>], iteration_bounds = array<i64: 2, 16>, scalar_prefetch = 0 : i64, scratch_operands = 3 : i64, tpu.core_type = #tpu.core_type<sc_vector_subcore>, window_params = [{transform_indices = #map}, {transform_indices = #map1}, {transform_indices = #map1}]} {
    %mul3A = arith.constant 2 : i32
    %mul3A_0 = arith.muli %arg1, %mul3A : i32
    %add3A = arith.addi %mul3A_0, %arg0 : i32
    "tpu.region"() ({
      %run_scoped3A = tpu.sem_alloc : memref<!tpu.dma_semaphore, #tpu.memory_space<semaphore_mem>>
      tpu.enqueue_dma source(%arg2 : memref<32768xf32, #tpu.memory_space<hbm>>) target(%arg5 : memref<32768xf32, #tpu.memory_space<vmem>>) target_semaphore(%run_scoped3A : memref<!tpu.dma_semaphore, #tpu.memory_space<semaphore_mem>>)
      tpu.wait_dma2 semaphore(%run_scoped3A : memref<!tpu.dma_semaphore, #tpu.memory_space<semaphore_mem>>) src(%arg2 : memref<32768xf32, #tpu.memory_space<hbm>>) dst(%arg5 : memref<32768xf32, #tpu.memory_space<vmem>>)
      tpu.yield
    }) : () -> ()
    "tpu.region"() ({
      %run_scoped3A = tpu.sem_alloc : memref<!tpu.dma_semaphore, #tpu.memory_space<semaphore_mem>>
      %dma_start3A = arith.constant 0 : i32
      %dma_start3A_5 = tpu.memref_slice %arg3[%add3A, %dma_start3A] : memref<32x1024xi32, #tpu.memory_space<hbm>> -> memref<1x1024xi32, #tpu.memory_space<hbm>>
      %dma_start3A_6 = tpu.memref_squeeze %dma_start3A_5 : memref<1x1024xi32, #tpu.memory_space<hbm>> -> memref<1024xi32, #tpu.memory_space<hbm>>
      %dma_start3A_7 = arith.constant 0 : i32
      %dma_start3A_8 = tpu.memref_slice %arg3[%add3A, %dma_start3A_7] : memref<32x1024xi32, #tpu.memory_space<hbm>> -> memref<1x1024xi32, #tpu.memory_space<hbm>>
      %dma_start3A_9 = tpu.memref_squeeze %dma_start3A_8 : memref<1x1024xi32, #tpu.memory_space<hbm>> -> memref<1024xi32, #tpu.memory_space<hbm>>
      tpu.enqueue_dma source(%dma_start3A_9 : memref<1024xi32, #tpu.memory_space<hbm>>) target(%arg6 : memref<1024xi32, #tpu.memory_space<vmem>>) target_semaphore(%run_scoped3A : memref<!tpu.dma_semaphore, #tpu.memory_space<semaphore_mem>>)
      %dma_wait3A = arith.constant 0 : i32
      %dma_wait3A_10 = tpu.memref_slice %arg3[%add3A, %dma_wait3A] : memref<32x1024xi32, #tpu.memory_space<hbm>> -> memref<1x1024xi32, #tpu.memory_space<hbm>>
      %dma_wait3A_11 = tpu.memref_squeeze %dma_wait3A_10 : memref<1x1024xi32, #tpu.memory_space<hbm>> -> memref<1024xi32, #tpu.memory_space<hbm>>
      %dma_wait3A_12 = arith.constant 0 : i32
      %dma_wait3A_13 = tpu.memref_slice %arg3[%add3A, %dma_wait3A_12] : memref<32x1024xi32, #tpu.memory_space<hbm>> -> memref<1x1024xi32, #tpu.memory_space<hbm>>
      %dma_wait3A_14 = tpu.memref_squeeze %dma_wait3A_13 : memref<1x1024xi32, #tpu.memory_space<hbm>> -> memref<1024xi32, #tpu.memory_space<hbm>>
      tpu.wait_dma2 semaphore(%run_scoped3A : memref<!tpu.dma_semaphore, #tpu.memory_space<semaphore_mem>>) src(%dma_wait3A_14 : memref<1024xi32, #tpu.memory_space<hbm>>) dst(%arg6 : memref<1024xi32, #tpu.memory_space<vmem>>)
      tpu.yield
    }) : () -> ()
    %parallel_loop3A = arith.constant 0 : i32
    %parallel_loop3A_1 = arith.constant 64 : i32
    %parallel_loop3A_2 = arith.constant 1 : i32
    scf.for %parallel_loop3A_5 = %parallel_loop3A to %parallel_loop3A_1 step %parallel_loop3A_2  : i32 {
      %parallel_loop3A_6 = arith.constant 16 : i32
      %parallel_loop3A_7 = arith.muli %parallel_loop3A_5, %parallel_loop3A_6 : i32
      %parallel_loop3A_8 = arith.index_cast %parallel_loop3A_7 : i32 to index
      %parallel_loop3A_9 = tpu.vector_load %arg6[%parallel_loop3A_8] {strides = array<i32>} : memref<1024xi32, #tpu.memory_space<vmem>>, vector<16xi32>,
      %parallel_loop3A_10 = arith.constant 32 : i32
      %parallel_loop3A_11 = vector.broadcast %parallel_loop3A_10 : i32 to vector<16xi32>
      %parallel_loop3A_12 = arith.muli %parallel_loop3A_9, %parallel_loop3A_11 : vector<16xi32>
      %parallel_loop3A_13 = arith.constant 0 : i32
      %parallel_loop3A_14 = vector.broadcast %parallel_loop3A_13 : i32 to vector<16xi32>
      %parallel_loop3A_15 = arith.addi %parallel_loop3A_12, %parallel_loop3A_14 : vector<16xi32>
      %parallel_loop3A_16 = tpu.vector_load_idx %arg5[%parallel_loop3A_15] : memref<32768xf32, #tpu.memory_space<vmem>>[vector<16xi32>], vector<16xf32>,
      %parallel_loop3A_17 = arith.constant 16 : i32
      %parallel_loop3A_18 = arith.muli %parallel_loop3A_5, %parallel_loop3A_17 : i32
      %parallel_loop3A_19 = arith.constant 0 : i32
      %parallel_loop3A_20 = arith.index_cast %parallel_loop3A_19 : i32 to index
      %parallel_loop3A_21 = arith.index_cast %parallel_loop3A_18 : i32 to index
      %parallel_loop3A_22 = tpu.vector_load %arg7[%parallel_loop3A_20, %parallel_loop3A_21] {strides = array<i32>} : memref<32x1024xf32, #tpu.memory_space<vmem>>, vector<16xf32>,
      tpu.vector_store %arg7[%parallel_loop3A_20, %parallel_loop3A_21], %parallel_loop3A_16 {strides = array<i32>} : memref<32x1024xf32, #tpu.memory_space<vmem>>, vector<16xf32>,
      %parallel_loop3A_23 = arith.constant 1 : i32
      %parallel_loop3A_24 = vector.broadcast %parallel_loop3A_23 : i32 to vector<16xi32>
      %parallel_loop3A_25 = arith.addi %parallel_loop3A_12, %parallel_loop3A_24 : vector<16xi32>
      %parallel_loop3A_26 = tpu.vector_load_idx %arg5[%parallel_loop3A_25] : memref<32768xf32, #tpu.memory_space<vmem>>[vector<16xi32>], vector<16xf32>,
      %parallel_loop3A_27 = arith.constant 16 : i32
      %parallel_loop3A_28 = arith.muli %parallel_loop3A_5, %parallel_loop3A_27 : i32
      %parallel_loop3A_29 = arith.constant 1 : i32
      %parallel_loop3A_30 = arith.index_cast %parallel_loop3A_29 : i32 to index
      %parallel_loop3A_31 = arith.index_cast %parallel_loop3A_28 : i32 to index
      %parallel_loop3A_32 = tpu.vector_load %arg7[%parallel_loop3A_30, %parallel_loop3A_31] {strides = array<i32>} : memref<32x1024xf32, #tpu.memory_space<vmem>>, vector<16xf32>,
      tpu.vector_store %arg7[%parallel_loop3A_30, %parallel_loop3A_31], %parallel_loop3A_26 {strides = array<i32>} : memref<32x1024xf32, #tpu.memory_space<vmem>>, vector<16xf32>,
      %parallel_loop3A_33 = arith.constant 2 : i32
      %parallel_loop3A_34 = vector.broadcast %parallel_loop3A_33 : i32 to vector<16xi32>
      %parallel_loop3A_35 = arith.addi %parallel_loop3A_12, %parallel_loop3A_34 : vector<16xi32>
      %parallel_loop3A_36 = tpu.vector_load_idx %arg5[%parallel_loop3A_35] : memref<32768xf32, #tpu.memory_space<vmem>>[vector<16xi32>], vector<16xf32>,
      %parallel_loop3A_37 = arith.constant 16 : i32
      %parallel_loop3A_38 = arith.muli %parallel_loop3A_5, %parallel_loop3A_37 : i32
      %parallel_loop3A_39 = arith.constant 2 : i32
      %parallel_loop3A_40 = arith.index_cast %parallel_loop3A_39 : i32 to index
      %parallel_loop3A_41 = arith.index_cast %parallel_loop3A_38 : i32 to index
      %parallel_loop3A_42 = tpu.vector_load %arg7[%parallel_loop3A_40, %parallel_loop3A_41] {strides = array<i32>} : memref<32x1024xf32, #tpu.memory_space<vmem>>, vector<16xf32>,
      tpu.vector_store %arg7[%parallel_loop3A_40, %parallel_loop3A_41], %parallel_loop3A_36 {strides = array<i32>} : memref<32x1024xf32, #tpu.memory_space<vmem>>, vector<16xf32>,
      %parallel_loop3A_43 = arith.constant 3 : i32
      %parallel_loop3A_44 = vector.broadcast %parallel_loop3A_43 : i32 to vector<16xi32>
      %parallel_loop3A_45 = arith.addi %parallel_loop3A_12, %parallel_loop3A_44 : vector<16xi32>
      %parallel_loop3A_46 = tpu.vector_load_idx %arg5[%parallel_loop3A_45] : memref<32768xf32, #tpu.memory_space<vmem>>[vector<16xi32>], vector<16xf32>,
      %parallel_loop3A_47 = arith.constant 16 : i32
      %parallel_loop3A_48 = arith.muli %parallel_loop3A_5, %parallel_loop3A_47 : i32
      %parallel_loop3A_49 = arith.constant 3 : i32
      %parallel_loop3A_50 = arith.index_cast %parallel_loop3A_49 : i32 to index
      %parallel_loop3A_51 = arith.index_cast %parallel_loop3A_48 : i32 to index
      %parallel_loop3A_52 = tpu.vector_load %arg7[%parallel_loop3A_50, %parallel_loop3A_51] {strides = array<i32>} : memref<32x1024xf32, #tpu.memory_space<vmem>>, vector<16xf32>,
      tpu.vector_store %arg7[%parallel_loop3A_50, %parallel_loop3A_51], %parallel_loop3A_46 {strides = array<i32>} : memref<32x1024xf32, #tpu.memory_space<vmem>>, vector<16xf32>,
      %parallel_loop3A_53 = arith.constant 4 : i32
      %parallel_loop3A_54 = vector.broadcast %parallel_loop3A_53 : i32 to vector<16xi32>
      %parallel_loop3A_55 = arith.addi %parallel_loop3A_12, %parallel_loop3A_54 : vector<16xi32>
      %parallel_loop3A_56 = tpu.vector_load_idx %arg5[%parallel_loop3A_55] : memref<32768xf32, #tpu.memory_space<vmem>>[vector<16xi32>], vector<16xf32>,
      %parallel_loop3A_57 = arith.constant 16 : i32
      %parallel_loop3A_58 = arith.muli %parallel_loop3A_5, %parallel_loop3A_57 : i32
      %parallel_loop3A_59 = arith.constant 4 : i32
      %parallel_loop3A_60 = arith.index_cast %parallel_loop3A_59 : i32 to index
      %parallel_loop3A_61 = arith.index_cast %parallel_loop3A_58 : i32 to index
      %parallel_loop3A_62 = tpu.vector_load %arg7[%parallel_loop3A_60, %parallel_loop3A_61] {strides = array<i32>} : memref<32x1024xf32, #tpu.memory_space<vmem>>, vector<16xf32>,
      tpu.vector_store %arg7[%parallel_loop3A_60, %parallel_loop3A_61], %parallel_loop3A_56 {strides = array<i32>} : memref<32x1024xf32, #tpu.memory_space<vmem>>, vector<16xf32>,
      %parallel_loop3A_63 = arith.constant 5 : i32
      %parallel_loop3A_64 = vector.broadcast %parallel_loop3A_63 : i32 to vector<16xi32>
      %parallel_loop3A_65 = arith.addi %parallel_loop3A_12, %parallel_loop3A_64 : vector<16xi32>
      %parallel_loop3A_66 = tpu.vector_load_idx %arg5[%parallel_loop3A_65] : memref<32768xf32, #tpu.memory_space<vmem>>[vector<16xi32>], vector<16xf32>,
      %parallel_loop3A_67 = arith.constant 16 : i32
      %parallel_loop3A_68 = arith.muli %parallel_loop3A_5, %parallel_loop3A_67 : i32
      %parallel_loop3A_69 = arith.constant 5 : i32
      %parallel_loop3A_70 = arith.index_cast %parallel_loop3A_69 : i32 to index
      %parallel_loop3A_71 = arith.index_cast %parallel_loop3A_68 : i32 to index
      %parallel_loop3A_72 = tpu.vector_load %arg7[%parallel_loop3A_70, %parallel_loop3A_71] {strides = array<i32>} : memref<32x1024xf32, #tpu.memory_space<vmem>>, vector<16xf32>,
      tpu.vector_store %arg7[%parallel_loop3A_70, %parallel_loop3A_71], %parallel_loop3A_66 {strides = array<i32>} : memref<32x1024xf32, #tpu.memory_space<vmem>>, vector<16xf32>,
      %parallel_loop3A_73 = arith.constant 6 : i32
      %parallel_loop3A_74 = vector.broadcast %parallel_loop3A_73 : i32 to vector<16xi32>
      %parallel_loop3A_75 = arith.addi %parallel_loop3A_12, %parallel_loop3A_74 : vector<16xi32>
      %parallel_loop3A_76 = tpu.vector_load_idx %arg5[%parallel_loop3A_75] : memref<32768xf32, #tpu.memory_space<vmem>>[vector<16xi32>], vector<16xf32>,
      %parallel_loop3A_77 = arith.constant 16 : i32
      %parallel_loop3A_78 = arith.muli %parallel_loop3A_5, %parallel_loop3A_77 : i32
      %parallel_loop3A_79 = arith.constant 6 : i32
      %parallel_loop3A_80 = arith.index_cast %parallel_loop3A_79 : i32 to index
      %parallel_loop3A_81 = arith.index_cast %parallel_loop3A_78 : i32 to index
      %parallel_loop3A_82 = tpu.vector_load %arg7[%parallel_loop3A_80, %parallel_loop3A_81] {strides = array<i32>} : memref<32x1024xf32, #tpu.memory_space<vmem>>, vector<16xf32>,
      tpu.vector_store %arg7[%parallel_loop3A_80, %parallel_loop3A_81], %parallel_loop3A_76 {strides = array<i32>} : memref<32x1024xf32, #tpu.memory_space<vmem>>, vector<16xf32>,
      %parallel_loop3A_83 = arith.constant 7 : i32
      %parallel_loop3A_84 = vector.broadcast %parallel_loop3A_83 : i32 to vector<16xi32>
      %parallel_loop3A_85 = arith.addi %parallel_loop3A_12, %parallel_loop3A_84 : vector<16xi32>
      %parallel_loop3A_86 = tpu.vector_load_idx %arg5[%parallel_loop3A_85] : memref<32768xf32, #tpu.memory_space<vmem>>[vector<16xi32>], vector<16xf32>,
      %parallel_loop3A_87 = arith.constant 16 : i32
      %parallel_loop3A_88 = arith.muli %parallel_loop3A_5, %parallel_loop3A_87 : i32
      %parallel_loop3A_89 = arith.constant 7 : i32
      %parallel_loop3A_90 = arith.index_cast %parallel_loop3A_89 : i32 to index
      %parallel_loop3A_91 = arith.index_cast %parallel_loop3A_88 : i32 to index
      %parallel_loop3A_92 = tpu.vector_load %arg7[%parallel_loop3A_90, %parallel_loop3A_91] {strides = array<i32>} : memref<32x1024xf32, #tpu.memory_space<vmem>>, vector<16xf32>,
      tpu.vector_store %arg7[%parallel_loop3A_90, %parallel_loop3A_91], %parallel_loop3A_86 {strides = array<i32>} : memref<32x1024xf32, #tpu.memory_space<vmem>>, vector<16xf32>,
      %parallel_loop3A_93 = arith.constant 8 : i32
      %parallel_loop3A_94 = vector.broadcast %parallel_loop3A_93 : i32 to vector<16xi32>
      %parallel_loop3A_95 = arith.addi %parallel_loop3A_12, %parallel_loop3A_94 : vector<16xi32>
      %parallel_loop3A_96 = tpu.vector_load_idx %arg5[%parallel_loop3A_95] : memref<32768xf32, #tpu.memory_space<vmem>>[vector<16xi32>], vector<16xf32>,
      %parallel_loop3A_97 = arith.constant 16 : i32
      %parallel_loop3A_98 = arith.muli %parallel_loop3A_5, %parallel_loop3A_97 : i32
      %parallel_loop3A_99 = arith.constant 8 : i32
      %parallel_loop3A_100 = arith.index_cast %parallel_loop3A_99 : i32 to index
      %parallel_loop3A_101 = arith.index_cast %parallel_loop3A_98 : i32 to index
      %parallel_loop3A_102 = tpu.vector_load %arg7[%parallel_loop3A_100, %parallel_loop3A_101] {strides = array<i32>} : memref<32x1024xf32, #tpu.memory_space<vmem>>, vector<16xf32>,
      tpu.vector_store %arg7[%parallel_loop3A_100, %parallel_loop3A_101], %parallel_loop3A_96 {strides = array<i32>} : memref<32x1024xf32, #tpu.memory_space<vmem>>, vector<16xf32>,
      %parallel_loop3A_103 = arith.constant 9 : i32
      %parallel_loop3A_104 = vector.broadcast %parallel_loop3A_103 : i32 to vector<16xi32>
      %parallel_loop3A_105 = arith.addi %parallel_loop3A_12, %parallel_loop3A_104 : vector<16xi32>
      %parallel_loop3A_106 = tpu.vector_load_idx %arg5[%parallel_loop3A_105] : memref<32768xf32, #tpu.memory_space<vmem>>[vector<16xi32>], vector<16xf32>,
      %parallel_loop3A_107 = arith.constant 16 : i32
      %parallel_loop3A_108 = arith.muli %parallel_loop3A_5, %parallel_loop3A_107 : i32
      %parallel_loop3A_109 = arith.constant 9 : i32
      %parallel_loop3A_110 = arith.index_cast %parallel_loop3A_109 : i32 to index
      %parallel_loop3A_111 = arith.index_cast %parallel_loop3A_108 : i32 to index
      %parallel_loop3A_112 = tpu.vector_load %arg7[%parallel_loop3A_110, %parallel_loop3A_111] {strides = array<i32>} : memref<32x1024xf32, #tpu.memory_space<vmem>>, vector<16xf32>,
      tpu.vector_store %arg7[%parallel_loop3A_110, %parallel_loop3A_111], %parallel_loop3A_106 {strides = array<i32>} : memref<32x1024xf32, #tpu.memory_space<vmem>>, vector<16xf32>,
      %parallel_loop3A_113 = arith.constant 10 : i32
      %parallel_loop3A_114 = vector.broadcast %parallel_loop3A_113 : i32 to vector<16xi32>
      %parallel_loop3A_115 = arith.addi %parallel_loop3A_12, %parallel_loop3A_114 : vector<16xi32>
      %parallel_loop3A_116 = tpu.vector_load_idx %arg5[%parallel_loop3A_115] : memref<32768xf32, #tpu.memory_space<vmem>>[vector<16xi32>], vector<16xf32>,
      %parallel_loop3A_117 = arith.constant 16 : i32
      %parallel_loop3A_118 = arith.muli %parallel_loop3A_5, %parallel_loop3A_117 : i32
      %parallel_loop3A_119 = arith.constant 10 : i32
      %parallel_loop3A_120 = arith.index_cast %parallel_loop3A_119 : i32 to index
      %parallel_loop3A_121 = arith.index_cast %parallel_loop3A_118 : i32 to index
      %parallel_loop3A_122 = tpu.vector_load %arg7[%parallel_loop3A_120, %parallel_loop3A_121] {strides = array<i32>} : memref<32x1024xf32, #tpu.memory_space<vmem>>, vector<16xf32>,
      tpu.vector_store %arg7[%parallel_loop3A_120, %parallel_loop3A_121], %parallel_loop3A_116 {strides = array<i32>} : memref<32x1024xf32, #tpu.memory_space<vmem>>, vector<16xf32>,
      %parallel_loop3A_123 = arith.constant 11 : i32
      %parallel_loop3A_124 = vector.broadcast %parallel_loop3A_123 : i32 to vector<16xi32>
      %parallel_loop3A_125 = arith.addi %parallel_loop3A_12, %parallel_loop3A_124 : vector<16xi32>
      %parallel_loop3A_126 = tpu.vector_load_idx %arg5[%parallel_loop3A_125] : memref<32768xf32, #tpu.memory_space<vmem>>[vector<16xi32>], vector<16xf32>,
      %parallel_loop3A_127 = arith.constant 16 : i32
      %parallel_loop3A_128 = arith.muli %parallel_loop3A_5, %parallel_loop3A_127 : i32
      %parallel_loop3A_129 = arith.constant 11 : i32
      %parallel_loop3A_130 = arith.index_cast %parallel_loop3A_129 : i32 to index
      %parallel_loop3A_131 = arith.index_cast %parallel_loop3A_128 : i32 to index
      %parallel_loop3A_132 = tpu.vector_load %arg7[%parallel_loop3A_130, %parallel_loop3A_131] {strides = array<i32>} : memref<32x1024xf32, #tpu.memory_space<vmem>>, vector<16xf32>,
      tpu.vector_store %arg7[%parallel_loop3A_130, %parallel_loop3A_131], %parallel_loop3A_126 {strides = array<i32>} : memref<32x1024xf32, #tpu.memory_space<vmem>>, vector<16xf32>,
      %parallel_loop3A_133 = arith.constant 12 : i32
      %parallel_loop3A_134 = vector.broadcast %parallel_loop3A_133 : i32 to vector<16xi32>
      %parallel_loop3A_135 = arith.addi %parallel_loop3A_12, %parallel_loop3A_134 : vector<16xi32>
      %parallel_loop3A_136 = tpu.vector_load_idx %arg5[%parallel_loop3A_135] : memref<32768xf32, #tpu.memory_space<vmem>>[vector<16xi32>], vector<16xf32>,
      %parallel_loop3A_137 = arith.constant 16 : i32
      %parallel_loop3A_138 = arith.muli %parallel_loop3A_5, %parallel_loop3A_137 : i32
      %parallel_loop3A_139 = arith.constant 12 : i32
      %parallel_loop3A_140 = arith.index_cast %parallel_loop3A_139 : i32 to index
      %parallel_loop3A_141 = arith.index_cast %parallel_loop3A_138 : i32 to index
      %parallel_loop3A_142 = tpu.vector_load %arg7[%parallel_loop3A_140, %parallel_loop3A_141] {strides = array<i32>} : memref<32x1024xf32, #tpu.memory_space<vmem>>, vector<16xf32>,
      tpu.vector_store %arg7[%parallel_loop3A_140, %parallel_loop3A_141], %parallel_loop3A_136 {strides = array<i32>} : memref<32x1024xf32, #tpu.memory_space<vmem>>, vector<16xf32>,
      %parallel_loop3A_143 = arith.constant 13 : i32
      %parallel_loop3A_144 = vector.broadcast %parallel_loop3A_143 : i32 to vector<16xi32>
      %parallel_loop3A_145 = arith.addi %parallel_loop3A_12, %parallel_loop3A_144 : vector<16xi32>
      %parallel_loop3A_146 = tpu.vector_load_idx %arg5[%parallel_loop3A_145] : memref<32768xf32, #tpu.memory_space<vmem>>[vector<16xi32>], vector<16xf32>,
      %parallel_loop3A_147 = arith.constant 16 : i32
      %parallel_loop3A_148 = arith.muli %parallel_loop3A_5, %parallel_loop3A_147 : i32
      %parallel_loop3A_149 = arith.constant 13 : i32
      %parallel_loop3A_150 = arith.index_cast %parallel_loop3A_149 : i32 to index
      %parallel_loop3A_151 = arith.index_cast %parallel_loop3A_148 : i32 to index
      %parallel_loop3A_152 = tpu.vector_load %arg7[%parallel_loop3A_150, %parallel_loop3A_151] {strides = array<i32>} : memref<32x1024xf32, #tpu.memory_space<vmem>>, vector<16xf32>,
      tpu.vector_store %arg7[%parallel_loop3A_150, %parallel_loop3A_151], %parallel_loop3A_146 {strides = array<i32>} : memref<32x1024xf32, #tpu.memory_space<vmem>>, vector<16xf32>,
      %parallel_loop3A_153 = arith.constant 14 : i32
      %parallel_loop3A_154 = vector.broadcast %parallel_loop3A_153 : i32 to vector<16xi32>
      %parallel_loop3A_155 = arith.addi %parallel_loop3A_12, %parallel_loop3A_154 : vector<16xi32>
      %parallel_loop3A_156 = tpu.vector_load_idx %arg5[%parallel_loop3A_155] : memref<32768xf32, #tpu.memory_space<vmem>>[vector<16xi32>], vector<16xf32>,
      %parallel_loop3A_157 = arith.constant 16 : i32
      %parallel_loop3A_158 = arith.muli %parallel_loop3A_5, %parallel_loop3A_157 : i32
      %parallel_loop3A_159 = arith.constant 14 : i32
      %parallel_loop3A_160 = arith.index_cast %parallel_loop3A_159 : i32 to index
      %parallel_loop3A_161 = arith.index_cast %parallel_loop3A_158 : i32 to index
      %parallel_loop3A_162 = tpu.vector_load %arg7[%parallel_loop3A_160, %parallel_loop3A_161] {strides = array<i32>} : memref<32x1024xf32, #tpu.memory_space<vmem>>, vector<16xf32>,
      tpu.vector_store %arg7[%parallel_loop3A_160, %parallel_loop3A_161], %parallel_loop3A_156 {strides = array<i32>} : memref<32x1024xf32, #tpu.memory_space<vmem>>, vector<16xf32>,
      %parallel_loop3A_163 = arith.constant 15 : i32
      %parallel_loop3A_164 = vector.broadcast %parallel_loop3A_163 : i32 to vector<16xi32>
      %parallel_loop3A_165 = arith.addi %parallel_loop3A_12, %parallel_loop3A_164 : vector<16xi32>
      %parallel_loop3A_166 = tpu.vector_load_idx %arg5[%parallel_loop3A_165] : memref<32768xf32, #tpu.memory_space<vmem>>[vector<16xi32>], vector<16xf32>,
      %parallel_loop3A_167 = arith.constant 16 : i32
      %parallel_loop3A_168 = arith.muli %parallel_loop3A_5, %parallel_loop3A_167 : i32
      %parallel_loop3A_169 = arith.constant 15 : i32
      %parallel_loop3A_170 = arith.index_cast %parallel_loop3A_169 : i32 to index
      %parallel_loop3A_171 = arith.index_cast %parallel_loop3A_168 : i32 to index
      %parallel_loop3A_172 = tpu.vector_load %arg7[%parallel_loop3A_170, %parallel_loop3A_171] {strides = array<i32>} : memref<32x1024xf32, #tpu.memory_space<vmem>>, vector<16xf32>,
      tpu.vector_store %arg7[%parallel_loop3A_170, %parallel_loop3A_171], %parallel_loop3A_166 {strides = array<i32>} : memref<32x1024xf32, #tpu.memory_space<vmem>>, vector<16xf32>,
      %parallel_loop3A_173 = arith.constant 16 : i32
      %parallel_loop3A_174 = vector.broadcast %parallel_loop3A_173 : i32 to vector<16xi32>
      %parallel_loop3A_175 = arith.addi %parallel_loop3A_12, %parallel_loop3A_174 : vector<16xi32>
      %parallel_loop3A_176 = tpu.vector_load_idx %arg5[%parallel_loop3A_175] : memref<32768xf32, #tpu.memory_space<vmem>>[vector<16xi32>], vector<16xf32>,
      %parallel_loop3A_177 = arith.constant 16 : i32
      %parallel_loop3A_178 = arith.muli %parallel_loop3A_5, %parallel_loop3A_177 : i32
      %parallel_loop3A_179 = arith.constant 16 : i32
      %parallel_loop3A_180 = arith.index_cast %parallel_loop3A_179 : i32 to index
      %parallel_loop3A_181 = arith.index_cast %parallel_loop3A_178 : i32 to index
      %parallel_loop3A_182 = tpu.vector_load %arg7[%parallel_loop3A_180, %parallel_loop3A_181] {strides = array<i32>} : memref<32x1024xf32, #tpu.memory_space<vmem>>, vector<16xf32>,
      tpu.vector_store %arg7[%parallel_loop3A_180, %parallel_loop3A_181], %parallel_loop3A_176 {strides = array<i32>} : memref<32x1024xf32, #tpu.memory_space<vmem>>, vector<16xf32>,
      %parallel_loop3A_183 = arith.constant 17 : i32
      %parallel_loop3A_184 = vector.broadcast %parallel_loop3A_183 : i32 to vector<16xi32>
      %parallel_loop3A_185 = arith.addi %parallel_loop3A_12, %parallel_loop3A_184 : vector<16xi32>
      %parallel_loop3A_186 = tpu.vector_load_idx %arg5[%parallel_loop3A_185] : memref<32768xf32, #tpu.memory_space<vmem>>[vector<16xi32>], vector<16xf32>,
      %parallel_loop3A_187 = arith.constant 16 : i32
      %parallel_loop3A_188 = arith.muli %parallel_loop3A_5, %parallel_loop3A_187 : i32
      %parallel_loop3A_189 = arith.constant 17 : i32
      %parallel_loop3A_190 = arith.index_cast %parallel_loop3A_189 : i32 to index
      %parallel_loop3A_191 = arith.index_cast %parallel_loop3A_188 : i32 to index
      %parallel_loop3A_192 = tpu.vector_load %arg7[%parallel_loop3A_190, %parallel_loop3A_191] {strides = array<i32>} : memref<32x1024xf32, #tpu.memory_space<vmem>>, vector<16xf32>,
      tpu.vector_store %arg7[%parallel_loop3A_190, %parallel_loop3A_191], %parallel_loop3A_186 {strides = array<i32>} : memref<32x1024xf32, #tpu.memory_space<vmem>>, vector<16xf32>,
      %parallel_loop3A_193 = arith.constant 18 : i32
      %parallel_loop3A_194 = vector.broadcast %parallel_loop3A_193 : i32 to vector<16xi32>
      %parallel_loop3A_195 = arith.addi %parallel_loop3A_12, %parallel_loop3A_194 : vector<16xi32>
      %parallel_loop3A_196 = tpu.vector_load_idx %arg5[%parallel_loop3A_195] : memref<32768xf32, #tpu.memory_space<vmem>>[vector<16xi32>], vector<16xf32>,
      %parallel_loop3A_197 = arith.constant 16 : i32
      %parallel_loop3A_198 = arith.muli %parallel_loop3A_5, %parallel_loop3A_197 : i32
      %parallel_loop3A_199 = arith.constant 18 : i32
      %parallel_loop3A_200 = arith.index_cast %parallel_loop3A_199 : i32 to index
      %parallel_loop3A_201 = arith.index_cast %parallel_loop3A_198 : i32 to index
      %parallel_loop3A_202 = tpu.vector_load %arg7[%parallel_loop3A_200, %parallel_loop3A_201] {strides = array<i32>} : memref<32x1024xf32, #tpu.memory_space<vmem>>, vector<16xf32>,
      tpu.vector_store %arg7[%parallel_loop3A_200, %parallel_loop3A_201], %parallel_loop3A_196 {strides = array<i32>} : memref<32x1024xf32, #tpu.memory_space<vmem>>, vector<16xf32>,
      %parallel_loop3A_203 = arith.constant 19 : i32
      %parallel_loop3A_204 = vector.broadcast %parallel_loop3A_203 : i32 to vector<16xi32>
      %parallel_loop3A_205 = arith.addi %parallel_loop3A_12, %parallel_loop3A_204 : vector<16xi32>
      %parallel_loop3A_206 = tpu.vector_load_idx %arg5[%parallel_loop3A_205] : memref<32768xf32, #tpu.memory_space<vmem>>[vector<16xi32>], vector<16xf32>,
      %parallel_loop3A_207 = arith.constant 16 : i32
      %parallel_loop3A_208 = arith.muli %parallel_loop3A_5, %parallel_loop3A_207 : i32
      %parallel_loop3A_209 = arith.constant 19 : i32
      %parallel_loop3A_210 = arith.index_cast %parallel_loop3A_209 : i32 to index
      %parallel_loop3A_211 = arith.index_cast %parallel_loop3A_208 : i32 to index
      %parallel_loop3A_212 = tpu.vector_load %arg7[%parallel_loop3A_210, %parallel_loop3A_211] {strides = array<i32>} : memref<32x1024xf32, #tpu.memory_space<vmem>>, vector<16xf32>,
      tpu.vector_store %arg7[%parallel_loop3A_210, %parallel_loop3A_211], %parallel_loop3A_206 {strides = array<i32>} : memref<32x1024xf32, #tpu.memory_space<vmem>>, vector<16xf32>,
      %parallel_loop3A_213 = arith.constant 20 : i32
      %parallel_loop3A_214 = vector.broadcast %parallel_loop3A_213 : i32 to vector<16xi32>
      %parallel_loop3A_215 = arith.addi %parallel_loop3A_12, %parallel_loop3A_214 : vector<16xi32>
      %parallel_loop3A_216 = tpu.vector_load_idx %arg5[%parallel_loop3A_215] : memref<32768xf32, #tpu.memory_space<vmem>>[vector<16xi32>], vector<16xf32>,
      %parallel_loop3A_217 = arith.constant 16 : i32
      %parallel_loop3A_218 = arith.muli %parallel_loop3A_5, %parallel_loop3A_217 : i32
      %parallel_loop3A_219 = arith.constant 20 : i32
      %parallel_loop3A_220 = arith.index_cast %parallel_loop3A_219 : i32 to index
      %parallel_loop3A_221 = arith.index_cast %parallel_loop3A_218 : i32 to index
      %parallel_loop3A_222 = tpu.vector_load %arg7[%parallel_loop3A_220, %parallel_loop3A_221] {strides = array<i32>} : memref<32x1024xf32, #tpu.memory_space<vmem>>, vector<16xf32>,
      tpu.vector_store %arg7[%parallel_loop3A_220, %parallel_loop3A_221], %parallel_loop3A_216 {strides = array<i32>} : memref<32x1024xf32, #tpu.memory_space<vmem>>, vector<16xf32>,
      %parallel_loop3A_223 = arith.constant 21 : i32
      %parallel_loop3A_224 = vector.broadcast %parallel_loop3A_223 : i32 to vector<16xi32>
      %parallel_loop3A_225 = arith.addi %parallel_loop3A_12, %parallel_loop3A_224 : vector<16xi32>
      %parallel_loop3A_226 = tpu.vector_load_idx %arg5[%parallel_loop3A_225] : memref<32768xf32, #tpu.memory_space<vmem>>[vector<16xi32>], vector<16xf32>,
      %parallel_loop3A_227 = arith.constant 16 : i32
      %parallel_loop3A_228 = arith.muli %parallel_loop3A_5, %parallel_loop3A_227 : i32
      %parallel_loop3A_229 = arith.constant 21 : i32
      %parallel_loop3A_230 = arith.index_cast %parallel_loop3A_229 : i32 to index
      %parallel_loop3A_231 = arith.index_cast %parallel_loop3A_228 : i32 to index
      %parallel_loop3A_232 = tpu.vector_load %arg7[%parallel_loop3A_230, %parallel_loop3A_231] {strides = array<i32>} : memref<32x1024xf32, #tpu.memory_space<vmem>>, vector<16xf32>,
      tpu.vector_store %arg7[%parallel_loop3A_230, %parallel_loop3A_231], %parallel_loop3A_226 {strides = array<i32>} : memref<32x1024xf32, #tpu.memory_space<vmem>>, vector<16xf32>,
      %parallel_loop3A_233 = arith.constant 22 : i32
      %parallel_loop3A_234 = vector.broadcast %parallel_loop3A_233 : i32 to vector<16xi32>
      %parallel_loop3A_235 = arith.addi %parallel_loop3A_12, %parallel_loop3A_234 : vector<16xi32>
      %parallel_loop3A_236 = tpu.vector_load_idx %arg5[%parallel_loop3A_235] : memref<32768xf32, #tpu.memory_space<vmem>>[vector<16xi32>], vector<16xf32>,
      %parallel_loop3A_237 = arith.constant 16 : i32
      %parallel_loop3A_238 = arith.muli %parallel_loop3A_5, %parallel_loop3A_237 : i32
      %parallel_loop3A_239 = arith.constant 22 : i32
      %parallel_loop3A_240 = arith.index_cast %parallel_loop3A_239 : i32 to index
      %parallel_loop3A_241 = arith.index_cast %parallel_loop3A_238 : i32 to index
      %parallel_loop3A_242 = tpu.vector_load %arg7[%parallel_loop3A_240, %parallel_loop3A_241] {strides = array<i32>} : memref<32x1024xf32, #tpu.memory_space<vmem>>, vector<16xf32>,
      tpu.vector_store %arg7[%parallel_loop3A_240, %parallel_loop3A_241], %parallel_loop3A_236 {strides = array<i32>} : memref<32x1024xf32, #tpu.memory_space<vmem>>, vector<16xf32>,
      %parallel_loop3A_243 = arith.constant 23 : i32
      %parallel_loop3A_244 = vector.broadcast %parallel_loop3A_243 : i32 to vector<16xi32>
      %parallel_loop3A_245 = arith.addi %parallel_loop3A_12, %parallel_loop3A_244 : vector<16xi32>
      %parallel_loop3A_246 = tpu.vector_load_idx %arg5[%parallel_loop3A_245] : memref<32768xf32, #tpu.memory_space<vmem>>[vector<16xi32>], vector<16xf32>,
      %parallel_loop3A_247 = arith.constant 16 : i32
      %parallel_loop3A_248 = arith.muli %parallel_loop3A_5, %parallel_loop3A_247 : i32
      %parallel_loop3A_249 = arith.constant 23 : i32
      %parallel_loop3A_250 = arith.index_cast %parallel_loop3A_249 : i32 to index
      %parallel_loop3A_251 = arith.index_cast %parallel_loop3A_248 : i32 to index
      %parallel_loop3A_252 = tpu.vector_load %arg7[%parallel_loop3A_250, %parallel_loop3A_251] {strides = array<i32>} : memref<32x1024xf32, #tpu.memory_space<vmem>>, vector<16xf32>,
      tpu.vector_store %arg7[%parallel_loop3A_250, %parallel_loop3A_251], %parallel_loop3A_246 {strides = array<i32>} : memref<32x1024xf32, #tpu.memory_space<vmem>>, vector<16xf32>,
      %parallel_loop3A_253 = arith.constant 24 : i32
      %parallel_loop3A_254 = vector.broadcast %parallel_loop3A_253 : i32 to vector<16xi32>
      %parallel_loop3A_255 = arith.addi %parallel_loop3A_12, %parallel_loop3A_254 : vector<16xi32>
      %parallel_loop3A_256 = tpu.vector_load_idx %arg5[%parallel_loop3A_255] : memref<32768xf32, #tpu.memory_space<vmem>>[vector<16xi32>], vector<16xf32>,
      %parallel_loop3A_257 = arith.constant 16 : i32
      %parallel_loop3A_258 = arith.muli %parallel_loop3A_5, %parallel_loop3A_257 : i32
      %parallel_loop3A_259 = arith.constant 24 : i32
      %parallel_loop3A_260 = arith.index_cast %parallel_loop3A_259 : i32 to index
      %parallel_loop3A_261 = arith.index_cast %parallel_loop3A_258 : i32 to index
      %parallel_loop3A_262 = tpu.vector_load %arg7[%parallel_loop3A_260, %parallel_loop3A_261] {strides = array<i32>} : memref<32x1024xf32, #tpu.memory_space<vmem>>, vector<16xf32>,
      tpu.vector_store %arg7[%parallel_loop3A_260, %parallel_loop3A_261], %parallel_loop3A_256 {strides = array<i32>} : memref<32x1024xf32, #tpu.memory_space<vmem>>, vector<16xf32>,
      %parallel_loop3A_263 = arith.constant 25 : i32
      %parallel_loop3A_264 = vector.broadcast %parallel_loop3A_263 : i32 to vector<16xi32>
      %parallel_loop3A_265 = arith.addi %parallel_loop3A_12, %parallel_loop3A_264 : vector<16xi32>
      %parallel_loop3A_266 = tpu.vector_load_idx %arg5[%parallel_loop3A_265] : memref<32768xf32, #tpu.memory_space<vmem>>[vector<16xi32>], vector<16xf32>,
      %parallel_loop3A_267 = arith.constant 16 : i32
      %parallel_loop3A_268 = arith.muli %parallel_loop3A_5, %parallel_loop3A_267 : i32
      %parallel_loop3A_269 = arith.constant 25 : i32
      %parallel_loop3A_270 = arith.index_cast %parallel_loop3A_269 : i32 to index
      %parallel_loop3A_271 = arith.index_cast %parallel_loop3A_268 : i32 to index
      %parallel_loop3A_272 = tpu.vector_load %arg7[%parallel_loop3A_270, %parallel_loop3A_271] {strides = array<i32>} : memref<32x1024xf32, #tpu.memory_space<vmem>>, vector<16xf32>,
      tpu.vector_store %arg7[%parallel_loop3A_270, %parallel_loop3A_271], %parallel_loop3A_266 {strides = array<i32>} : memref<32x1024xf32, #tpu.memory_space<vmem>>, vector<16xf32>,
      %parallel_loop3A_273 = arith.constant 26 : i32
      %parallel_loop3A_274 = vector.broadcast %parallel_loop3A_273 : i32 to vector<16xi32>
      %parallel_loop3A_275 = arith.addi %parallel_loop3A_12, %parallel_loop3A_274 : vector<16xi32>
      %parallel_loop3A_276 = tpu.vector_load_idx %arg5[%parallel_loop3A_275] : memref<32768xf32, #tpu.memory_space<vmem>>[vector<16xi32>], vector<16xf32>,
      %parallel_loop3A_277 = arith.constant 16 : i32
      %parallel_loop3A_278 = arith.muli %parallel_loop3A_5, %parallel_loop3A_277 : i32
      %parallel_loop3A_279 = arith.constant 26 : i32
      %parallel_loop3A_280 = arith.index_cast %parallel_loop3A_279 : i32 to index
      %parallel_loop3A_281 = arith.index_cast %parallel_loop3A_278 : i32 to index
      %parallel_loop3A_282 = tpu.vector_load %arg7[%parallel_loop3A_280, %parallel_loop3A_281] {strides = array<i32>} : memref<32x1024xf32, #tpu.memory_space<vmem>>, vector<16xf32>,
      tpu.vector_store %arg7[%parallel_loop3A_280, %parallel_loop3A_281], %parallel_loop3A_276 {strides = array<i32>} : memref<32x1024xf32, #tpu.memory_space<vmem>>, vector<16xf32>,
      %parallel_loop3A_283 = arith.constant 27 : i32
      %parallel_loop3A_284 = vector.broadcast %parallel_loop3A_283 : i32 to vector<16xi32>
      %parallel_loop3A_285 = arith.addi %parallel_loop3A_12, %parallel_loop3A_284 : vector<16xi32>
      %parallel_loop3A_286 = tpu.vector_load_idx %arg5[%parallel_loop3A_285] : memref<32768xf32, #tpu.memory_space<vmem>>[vector<16xi32>], vector<16xf32>,
      %parallel_loop3A_287 = arith.constant 16 : i32
      %parallel_loop3A_288 = arith.muli %parallel_loop3A_5, %parallel_loop3A_287 : i32
      %parallel_loop3A_289 = arith.constant 27 : i32
      %parallel_loop3A_290 = arith.index_cast %parallel_loop3A_289 : i32 to index
      %parallel_loop3A_291 = arith.index_cast %parallel_loop3A_288 : i32 to index
      %parallel_loop3A_292 = tpu.vector_load %arg7[%parallel_loop3A_290, %parallel_loop3A_291] {strides = array<i32>} : memref<32x1024xf32, #tpu.memory_space<vmem>>, vector<16xf32>,
      tpu.vector_store %arg7[%parallel_loop3A_290, %parallel_loop3A_291], %parallel_loop3A_286 {strides = array<i32>} : memref<32x1024xf32, #tpu.memory_space<vmem>>, vector<16xf32>,
      %parallel_loop3A_293 = arith.constant 28 : i32
      %parallel_loop3A_294 = vector.broadcast %parallel_loop3A_293 : i32 to vector<16xi32>
      %parallel_loop3A_295 = arith.addi %parallel_loop3A_12, %parallel_loop3A_294 : vector<16xi32>
      %parallel_loop3A_296 = tpu.vector_load_idx %arg5[%parallel_loop3A_295] : memref<32768xf32, #tpu.memory_space<vmem>>[vector<16xi32>], vector<16xf32>,
      %parallel_loop3A_297 = arith.constant 16 : i32
      %parallel_loop3A_298 = arith.muli %parallel_loop3A_5, %parallel_loop3A_297 : i32
      %parallel_loop3A_299 = arith.constant 28 : i32
      %parallel_loop3A_300 = arith.index_cast %parallel_loop3A_299 : i32 to index
      %parallel_loop3A_301 = arith.index_cast %parallel_loop3A_298 : i32 to index
      %parallel_loop3A_302 = tpu.vector_load %arg7[%parallel_loop3A_300, %parallel_loop3A_301] {strides = array<i32>} : memref<32x1024xf32, #tpu.memory_space<vmem>>, vector<16xf32>,
      tpu.vector_store %arg7[%parallel_loop3A_300, %parallel_loop3A_301], %parallel_loop3A_296 {strides = array<i32>} : memref<32x1024xf32, #tpu.memory_space<vmem>>, vector<16xf32>,
      %parallel_loop3A_303 = arith.constant 29 : i32
      %parallel_loop3A_304 = vector.broadcast %parallel_loop3A_303 : i32 to vector<16xi32>
      %parallel_loop3A_305 = arith.addi %parallel_loop3A_12, %parallel_loop3A_304 : vector<16xi32>
      %parallel_loop3A_306 = tpu.vector_load_idx %arg5[%parallel_loop3A_305] : memref<32768xf32, #tpu.memory_space<vmem>>[vector<16xi32>], vector<16xf32>,
      %parallel_loop3A_307 = arith.constant 16 : i32
      %parallel_loop3A_308 = arith.muli %parallel_loop3A_5, %parallel_loop3A_307 : i32
      %parallel_loop3A_309 = arith.constant 29 : i32
      %parallel_loop3A_310 = arith.index_cast %parallel_loop3A_309 : i32 to index
      %parallel_loop3A_311 = arith.index_cast %parallel_loop3A_308 : i32 to index
      %parallel_loop3A_312 = tpu.vector_load %arg7[%parallel_loop3A_310, %parallel_loop3A_311] {strides = array<i32>} : memref<32x1024xf32, #tpu.memory_space<vmem>>, vector<16xf32>,
      tpu.vector_store %arg7[%parallel_loop3A_310, %parallel_loop3A_311], %parallel_loop3A_306 {strides = array<i32>} : memref<32x1024xf32, #tpu.memory_space<vmem>>, vector<16xf32>,
      %parallel_loop3A_313 = arith.constant 30 : i32
      %parallel_loop3A_314 = vector.broadcast %parallel_loop3A_313 : i32 to vector<16xi32>
      %parallel_loop3A_315 = arith.addi %parallel_loop3A_12, %parallel_loop3A_314 : vector<16xi32>
      %parallel_loop3A_316 = tpu.vector_load_idx %arg5[%parallel_loop3A_315] : memref<32768xf32, #tpu.memory_space<vmem>>[vector<16xi32>], vector<16xf32>,
      %parallel_loop3A_317 = arith.constant 16 : i32
      %parallel_loop3A_318 = arith.muli %parallel_loop3A_5, %parallel_loop3A_317 : i32
      %parallel_loop3A_319 = arith.constant 30 : i32
      %parallel_loop3A_320 = arith.index_cast %parallel_loop3A_319 : i32 to index
      %parallel_loop3A_321 = arith.index_cast %parallel_loop3A_318 : i32 to index
      %parallel_loop3A_322 = tpu.vector_load %arg7[%parallel_loop3A_320, %parallel_loop3A_321] {strides = array<i32>} : memref<32x1024xf32, #tpu.memory_space<vmem>>, vector<16xf32>,
      tpu.vector_store %arg7[%parallel_loop3A_320, %parallel_loop3A_321], %parallel_loop3A_316 {strides = array<i32>} : memref<32x1024xf32, #tpu.memory_space<vmem>>, vector<16xf32>,
      %parallel_loop3A_323 = arith.constant 31 : i32
      %parallel_loop3A_324 = vector.broadcast %parallel_loop3A_323 : i32 to vector<16xi32>
      %parallel_loop3A_325 = arith.addi %parallel_loop3A_12, %parallel_loop3A_324 : vector<16xi32>
      %parallel_loop3A_326 = tpu.vector_load_idx %arg5[%parallel_loop3A_325] : memref<32768xf32, #tpu.memory_space<vmem>>[vector<16xi32>], vector<16xf32>,
      %parallel_loop3A_327 = arith.constant 16 : i32
      %parallel_loop3A_328 = arith.muli %parallel_loop3A_5, %parallel_loop3A_327 : i32
      %parallel_loop3A_329 = arith.constant 31 : i32
      %parallel_loop3A_330 = arith.index_cast %parallel_loop3A_329 : i32 to index
      %parallel_loop3A_331 = arith.index_cast %parallel_loop3A_328 : i32 to index
      %parallel_loop3A_332 = tpu.vector_load %arg7[%parallel_loop3A_330, %parallel_loop3A_331] {strides = array<i32>} : memref<32x1024xf32, #tpu.memory_space<vmem>>, vector<16xf32>,
      tpu.vector_store %arg7[%parallel_loop3A_330, %parallel_loop3A_331], %parallel_loop3A_326 {strides = array<i32>} : memref<32x1024xf32, #tpu.memory_space<vmem>>, vector<16xf32>,
    } {sc.loop_unroll_factor = 4 : i64, sc.parallel_access}
    %mul3A_3 = arith.constant 32 : i32
    %mul3A_4 = arith.muli %add3A, %mul3A_3 : i32
    "tpu.region"() ({
      %run_scoped3A = tpu.sem_alloc : memref<!tpu.dma_semaphore, #tpu.memory_space<semaphore_mem>>
      %dma_start3A = arith.constant 0 : i32
      %dma_start3A_5 = tpu.memref_slice %arg4[%mul3A_4, %dma_start3A] : memref<1024x1024xf32, #tpu.memory_space<hbm>> -> memref<32x1024xf32, #tpu.memory_space<hbm>>
      %dma_start3A_6 = arith.constant 0 : i32
      %dma_start3A_7 = tpu.memref_slice %arg4[%mul3A_4, %dma_start3A_6] : memref<1024x1024xf32, #tpu.memory_space<hbm>> -> memref<32x1024xf32, #tpu.memory_space<hbm>>
      tpu.enqueue_dma source(%arg7 : memref<32x1024xf32, #tpu.memory_space<vmem>>) target(%dma_start3A_7 : memref<32x1024xf32, #tpu.memory_space<hbm>>) target_semaphore(%run_scoped3A : memref<!tpu.dma_semaphore, #tpu.memory_space<semaphore_mem>>)
      %dma_wait3A = arith.constant 0 : i32
      %dma_wait3A_8 = tpu.memref_slice %arg4[%mul3A_4, %dma_wait3A] : memref<1024x1024xf32, #tpu.memory_space<hbm>> -> memref<32x1024xf32, #tpu.memory_space<hbm>>
      %dma_wait3A_9 = arith.constant 0 : i32
      %dma_wait3A_10 = tpu.memref_slice %arg4[%mul3A_4, %dma_wait3A_9] : memref<1024x1024xf32, #tpu.memory_space<hbm>> -> memref<32x1024xf32, #tpu.memory_space<hbm>>
      tpu.wait_dma2 semaphore(%run_scoped3A : memref<!tpu.dma_semaphore, #tpu.memory_space<semaphore_mem>>) src(%arg7 : memref<32x1024xf32, #tpu.memory_space<vmem>>) dst(%dma_wait3A_10 : memref<32x1024xf32, #tpu.memory_space<hbm>>)
      tpu.yield
    }) : () -> ()
    return
  }
}

module attributes {stable_mosaic.version = 14 : i64} {
  func.func @_argmin_body(%arg0: i32, %arg1: memref<2x32x1024xf32, #tpu.memory_space<vmem>>, %arg2: memref<1024x32xf32, #tpu.memory_space<vmem>>, %arg3: memref<2x1024x1xi32, #tpu.memory_space<vmem>>, %arg4: memref<1x1xf32, #tpu.memory_space<vmem>>) attributes {dimension_semantics = [#tpu.dimension_semantics<arbitrary>], iteration_bounds = array<i64: 16>, scalar_prefetch = 0 : i64, scratch_operands = 0 : i64, tpu.core_type = #tpu.core_type<tc>, window_params = [{transform_indices = @transform_0, window_bounds = array<i64: 2, 32, 1024>}, {pipeline_mode = #tpu.pipeline_mode<synchronous>, transform_indices = @transform_1, window_bounds = array<i64: 1024, 32>}, {transform_indices = @transform_2, window_bounds = array<i64: 2, 1024, 1>}, {pipeline_mode = #tpu.pipeline_mode<synchronous>, transform_indices = @transform_3, window_bounds = array<i64: 1, 1>}]} {
    %get3A = arith.constant 0 : index
    %get3A_0 = arith.constant 0 : index
    %get3A_1 = vector.load %arg2[%get3A, %get3A_0] : memref<1024x32xf32, #tpu.memory_space<vmem>>, vector<1024x32xf32>
    %mul3A = arith.constant -2.000000e+00 : f32
    %mul3A_2 = vector.broadcast %mul3A : f32 to vector<1024x32xf32>
    %mul3A_3 = arith.mulf %get3A_1, %mul3A_2 : vector<1024x32xf32>
    %mul3A_4 = arith.mulf %get3A_1, %get3A_1 : vector<1024x32xf32>
    %reduce_sum3A = arith.constant dense<0.000000e+00> : vector<1024xf32>
    %reduce_sum3A_5 = vector.multi_reduction <add>, %mul3A_4, %reduce_sum3A [1] : vector<1024x32xf32> to vector<1024xf32>
    %broadcast_in_dim3A = arith.constant 0.000000e+00 : f32
    %broadcast_in_dim3A_6 = vector.broadcast %broadcast_in_dim3A : f32 to vector<1x1xf32>
    %get3A_7 = arith.constant 0 : index
    %get3A_8 = arith.constant 0 : index
    %get3A_9 = arith.constant 0 : index
    %get3A_10 = vector.load %arg1[%get3A_7, %get3A_8, %get3A_9] : memref<2x32x1024xf32, #tpu.memory_space<vmem>>, vector<1x32x1024xf32>
    %get3A_11 = vector.shape_cast %get3A_10 : vector<1x32x1024xf32> to vector<32x1024xf32>
    %mul3A_12 = arith.mulf %get3A_11, %get3A_11 : vector<32x1024xf32>
    %reduce_sum3A_13 = arith.constant dense<0.000000e+00> : vector<1024xf32>
    %reduce_sum3A_14 = vector.multi_reduction <add>, %mul3A_12, %reduce_sum3A_13 [0] : vector<32x1024xf32> to vector<1024xf32>
    %dot_general3A = arith.constant dense<0.000000e+00> : vector<1024x1024xf32>
    %dot_general3A_15 = tpu.matmul %get3A_11, %mul3A_3, %dot_general3A {dimension_numbers = #tpu.dot_dimension_numbers<[0], [1], [1], [0], [0, 1, 1, 0], [], []>, transpose_lhs_hint = false} : vector<32x1024xf32>, vector<1024x32xf32>, vector<1024x1024xf32> -> vector<1024x1024xf32>
    %broadcast_in_dim3A_16 = vector.shape_cast %reduce_sum3A_14 : vector<1024xf32> to vector<1024x1xf32>
    %broadcast_in_dim3A_17 = vector.shape_cast %reduce_sum3A_5 : vector<1024xf32> to vector<1x1024xf32>
    %add3A = vector.broadcast %broadcast_in_dim3A_16 : vector<1024x1xf32> to vector<1024x1024xf32>
    %add3A_18 = vector.broadcast %broadcast_in_dim3A_17 : vector<1x1024xf32> to vector<1024x1024xf32>
    %add3A_19 = arith.addf %add3A, %add3A_18 : vector<1024x1024xf32>
    %add3A_20 = arith.addf %add3A_19, %dot_general3A_15 : vector<1024x1024xf32>
    %reduce_min3A = arith.constant dense<0x7F800000> : vector<1024xf32>
    %reduce_min3A_21 = vector.multi_reduction <minimumf>, %add3A_20, %reduce_min3A [1] : vector<1024x1024xf32> to vector<1024xf32>
    %iota3A = tpu.iota {dimensions = array<i32: 1>} : vector<1024x1024xi32>
    %broadcast_in_dim3A_22 = vector.shape_cast %reduce_min3A_21 : vector<1024xf32> to vector<1024x1xf32>
    %eq3A = vector.broadcast %broadcast_in_dim3A_22 : vector<1024x1xf32> to vector<1024x1024xf32>
    %eq3A_23 = arith.cmpf oeq, %add3A_20, %eq3A : vector<1024x1024xf32>
    %jit3A = arith.constant 1024 : i32
    %broadcast_in_dim3A_24 = vector.broadcast %jit3A : i32 to vector<1024x1024xi32>
    %select_n3A = arith.select %eq3A_23, %iota3A, %broadcast_in_dim3A_24 : vector<1024x1024xi1>, vector<1024x1024xi32>
    %reduce_min3A_25 = arith.constant dense<2147483647> : vector<1024xi32>
    %reduce_min3A_26 = vector.multi_reduction <minsi>, %select_n3A, %reduce_min3A_25 [1] : vector<1024x1024xi32> to vector<1024xi32>
    %broadcast_in_dim3A_27 = vector.shape_cast %reduce_min3A_26 : vector<1024xi32> to vector<1024x1xi32>
    %swap3A = arith.constant 0 : index
    %swap3A_28 = arith.constant 0 : index
    %swap3A_29 = arith.constant 0 : index
    %swap3A_30 = vector.load %arg3[%swap3A, %swap3A_28, %swap3A_29] : memref<2x1024x1xi32, #tpu.memory_space<vmem>>, vector<1x1024x1xi32>
    %swap3A_31 = vector.shape_cast %swap3A_30 : vector<1x1024x1xi32> to vector<1024x1xi32>
    %swap3A_32 = vector.shape_cast %broadcast_in_dim3A_27 : vector<1024x1xi32> to vector<1x1024x1xi32>
    tpu.vector_store %arg3[%swap3A, %swap3A_28, %swap3A_29], %swap3A_32 {strides = array<i32>} : memref<2x1024x1xi32, #tpu.memory_space<vmem>>, vector<1x1024x1xi32>,
    %reduce_sum3A_33 = vector.shape_cast %reduce_min3A_21 : vector<1024xf32> to vector<1x1024xf32>
    %reduce_sum3A_34 = arith.constant dense<0.000000e+00> : vector<1xf32>
    %reduce_sum3A_35 = vector.multi_reduction <add>, %reduce_sum3A_33, %reduce_sum3A_34 [1] : vector<1x1024xf32> to vector<1xf32>
    %reduce_sum3A_36 = vector.shape_cast %reduce_sum3A_35 : vector<1xf32> to vector<1x1xf32>
    %reduce_sum3A_37 = vector.extract %reduce_sum3A_36[0, 0] : f32 from vector<1x1xf32>
    %reshape3A = vector.broadcast %reduce_sum3A_37 : f32 to vector<1x1xf32>
    %add3A_38 = arith.addf %broadcast_in_dim3A_6, %reshape3A : vector<1x1xf32>
    %get3A_39 = arith.constant 1 : index
    %get3A_40 = arith.constant 0 : index
    %get3A_41 = arith.constant 0 : index
    %get3A_42 = vector.load %arg1[%get3A_39, %get3A_40, %get3A_41] : memref<2x32x1024xf32, #tpu.memory_space<vmem>>, vector<1x32x1024xf32>
    %get3A_43 = vector.shape_cast %get3A_42 : vector<1x32x1024xf32> to vector<32x1024xf32>
    %mul3A_44 = arith.mulf %get3A_43, %get3A_43 : vector<32x1024xf32>
    %reduce_sum3A_45 = arith.constant dense<0.000000e+00> : vector<1024xf32>
    %reduce_sum3A_46 = vector.multi_reduction <add>, %mul3A_44, %reduce_sum3A_45 [0] : vector<32x1024xf32> to vector<1024xf32>
    %dot_general3A_47 = arith.constant dense<0.000000e+00> : vector<1024x1024xf32>
    %dot_general3A_48 = tpu.matmul %get3A_43, %mul3A_3, %dot_general3A_47 {dimension_numbers = #tpu.dot_dimension_numbers<[0], [1], [1], [0], [0, 1, 1, 0], [], []>, transpose_lhs_hint = false} : vector<32x1024xf32>, vector<1024x32xf32>, vector<1024x1024xf32> -> vector<1024x1024xf32>
    %broadcast_in_dim3A_49 = vector.shape_cast %reduce_sum3A_46 : vector<1024xf32> to vector<1024x1xf32>
    %broadcast_in_dim3A_50 = vector.shape_cast %reduce_sum3A_5 : vector<1024xf32> to vector<1x1024xf32>
    %add3A_51 = vector.broadcast %broadcast_in_dim3A_49 : vector<1024x1xf32> to vector<1024x1024xf32>
    %add3A_52 = vector.broadcast %broadcast_in_dim3A_50 : vector<1x1024xf32> to vector<1024x1024xf32>
    %add3A_53 = arith.addf %add3A_51, %add3A_52 : vector<1024x1024xf32>
    %add3A_54 = arith.addf %add3A_53, %dot_general3A_48 : vector<1024x1024xf32>
    %reduce_min3A_55 = arith.constant dense<0x7F800000> : vector<1024xf32>
    %reduce_min3A_56 = vector.multi_reduction <minimumf>, %add3A_54, %reduce_min3A_55 [1] : vector<1024x1024xf32> to vector<1024xf32>
    %iota3A_57 = tpu.iota {dimensions = array<i32: 1>} : vector<1024x1024xi32>
    %broadcast_in_dim3A_58 = vector.shape_cast %reduce_min3A_56 : vector<1024xf32> to vector<1024x1xf32>
    %eq3A_59 = vector.broadcast %broadcast_in_dim3A_58 : vector<1024x1xf32> to vector<1024x1024xf32>
    %eq3A_60 = arith.cmpf oeq, %add3A_54, %eq3A_59 : vector<1024x1024xf32>
    %jit3A_61 = arith.constant 1024 : i32
    %broadcast_in_dim3A_62 = vector.broadcast %jit3A_61 : i32 to vector<1024x1024xi32>
    %select_n3A_63 = arith.select %eq3A_60, %iota3A_57, %broadcast_in_dim3A_62 : vector<1024x1024xi1>, vector<1024x1024xi32>
    %reduce_min3A_64 = arith.constant dense<2147483647> : vector<1024xi32>
    %reduce_min3A_65 = vector.multi_reduction <minsi>, %select_n3A_63, %reduce_min3A_64 [1] : vector<1024x1024xi32> to vector<1024xi32>
    %broadcast_in_dim3A_66 = vector.shape_cast %reduce_min3A_65 : vector<1024xi32> to vector<1024x1xi32>
    %swap3A_67 = arith.constant 1 : index
    %swap3A_68 = arith.constant 0 : index
    %swap3A_69 = arith.constant 0 : index
    %swap3A_70 = vector.load %arg3[%swap3A_67, %swap3A_68, %swap3A_69] : memref<2x1024x1xi32, #tpu.memory_space<vmem>>, vector<1x1024x1xi32>
    %swap3A_71 = vector.shape_cast %swap3A_70 : vector<1x1024x1xi32> to vector<1024x1xi32>
    %swap3A_72 = vector.shape_cast %broadcast_in_dim3A_66 : vector<1024x1xi32> to vector<1x1024x1xi32>
    tpu.vector_store %arg3[%swap3A_67, %swap3A_68, %swap3A_69], %swap3A_72 {strides = array<i32>} : memref<2x1024x1xi32, #tpu.memory_space<vmem>>, vector<1x1024x1xi32>,
    %reduce_sum3A_73 = vector.shape_cast %reduce_min3A_56 : vector<1024xf32> to vector<1x1024xf32>
    %reduce_sum3A_74 = arith.constant dense<0.000000e+00> : vector<1xf32>
    %reduce_sum3A_75 = vector.multi_reduction <add>, %reduce_sum3A_73, %reduce_sum3A_74 [1] : vector<1x1024xf32> to vector<1xf32>
    %reduce_sum3A_76 = vector.shape_cast %reduce_sum3A_75 : vector<1xf32> to vector<1x1xf32>
    %reduce_sum3A_77 = vector.extract %reduce_sum3A_76[0, 0] : f32 from vector<1x1xf32>
    %reshape3A_78 = vector.broadcast %reduce_sum3A_77 : f32 to vector<1x1xf32>
    %add3A_79 = arith.addf %add3A_38, %reshape3A_78 : vector<1x1xf32>
    %eq3A_80 = arith.constant 0 : i32
    %eq3A_81 = arith.cmpi eq, %arg0, %eq3A_80 : i32
    %convert_element_type3A = arith.extui %eq3A_81 : i1 to i32
    %cond3A = arith.constant 0 : i32
    %cond3A_82 = arith.cmpi ne, %convert_element_type3A, %cond3A : i32
    scf.if %cond3A_82 {
      %swap3A_87 = arith.constant 0 : index
      %swap3A_88 = arith.constant 0 : index
      %swap3A_89 = vector.load %arg4[%swap3A_87, %swap3A_88] : memref<1x1xf32, #tpu.memory_space<vmem>>, vector<1x1xf32>
      tpu.vector_store %arg4[%swap3A_87, %swap3A_88], %add3A_79 {strides = array<i32>} : memref<1x1xf32, #tpu.memory_space<vmem>>, vector<1x1xf32>,
    } else {
    }
    %ne3A = arith.constant 0 : i32
    %ne3A_83 = arith.cmpi ne, %arg0, %ne3A : i32
    %convert_element_type3A_84 = arith.extui %ne3A_83 : i1 to i32
    %cond3A_85 = arith.constant 0 : i32
    %cond3A_86 = arith.cmpi ne, %convert_element_type3A_84, %cond3A_85 : i32
    scf.if %cond3A_86 {
      %get3A_87 = arith.constant 0 : index
      %get3A_88 = arith.constant 0 : index
      %get3A_89 = vector.load %arg4[%get3A_87, %get3A_88] : memref<1x1xf32, #tpu.memory_space<vmem>>, vector<1x1xf32>
      %add3A_90 = arith.addf %get3A_89, %add3A_79 : vector<1x1xf32>
      %swap3A_91 = arith.constant 0 : index
      %swap3A_92 = arith.constant 0 : index
      %swap3A_93 = vector.load %arg4[%swap3A_91, %swap3A_92] : memref<1x1xf32, #tpu.memory_space<vmem>>, vector<1x1xf32>
      tpu.vector_store %arg4[%swap3A_91, %swap3A_92], %add3A_90 {strides = array<i32>} : memref<1x1xf32, #tpu.memory_space<vmem>>, vector<1x1xf32>,
    } else {
    }
    return
  }
  func.func @transform_0(%arg0: i32) -> (i32, i32, i32) {
    %c0_i32 = arith.constant 0 : i32
    %c0_i32_0 = arith.constant 0 : i32
    %c0_i32_1 = arith.constant 0 : i32
    return %arg0, %c0_i32, %c0_i32_0 : i32, i32, i32
  }
  func.func @transform_1(%arg0: i32) -> (i32, i32) {
    %c0_i32 = arith.constant 0 : i32
    %c0_i32_0 = arith.constant 0 : i32
    %c0_i32_1 = arith.constant 0 : i32
    return %c0_i32, %c0_i32_0 : i32, i32
  }
  func.func @transform_2(%arg0: i32) -> (i32, i32, i32) {
    %c0_i32 = arith.constant 0 : i32
    %c0_i32_0 = arith.constant 0 : i32
    %c0_i32_1 = arith.constant 0 : i32
    return %arg0, %c0_i32, %c0_i32_0 : i32, i32, i32
  }
  func.func @transform_3(%arg0: i32) -> (i32, i32) {
    %c0_i32 = arith.constant 0 : i32
    %c0_i32_0 = arith.constant 0 : i32
    %c0_i32_1 = arith.constant 0 : i32
    return %c0_i32, %c0_i32_0 : i32, i32
  }
}

</mosaic_0001>

<sc_bundles>
// kernel: kernel.4.cloned.1.call-start
scs
__scs_entry_jumppad:
0x0: {  	(pc) =	sbr.rel $0x88, $3  }
0x1: {  	(tag) =	ssettag $0x0;
	lr =	simm.s32 $0x1  }
0x2: {  	[smem:$0x3F9F] =	sst lr;
	_ =	strace $0xD0000000  }
0x3: {  	_ = 	snop  }
0x4: {  	_ = 	snop  }
0x5: {  	_ = 	snop  }
0x6: {  	_ = 	snop  }
0x7: {  	_ = 	snop  }
__scs_overlays_trampoline_lowered:
0x8: {  	[smem:$0x3FAE] =	sst s0  }
0x9: {  	[smem:$0x3FAF] =	sst s1  }
0xa: {  	[smem:$0x3FB0] =	sst s2  }
0xb: {  	[smem:$0x3FB1] =	sst s3  }
0xc: {  	[smem:$0x3FB2] =	sst s4  }
0xd: {  	[smem:$0x3FB3] =	sst s5  }
0xe: {  	[smem:$0x3FB4] =	sst s6  }
0xf: {  	[smem:$0x3FB5] =	sst s7  }
0x10: {  	[smem:$0x3FB6] =	sst s8  }
0x11: {  	[smem:$0x3FB7] =	sst s9;
	s0 =	simm.s32 @!p0 $0x0  }
0x12: {  	s1 =	sld [smem:$0x3F9D];
	s0 =	simm.s32 @p0 $0x1  }
0x13: {  	[smem:$0x3FB8] =	sst s0;
	s0 =	simm.s32 @!p1 $0x0  }
0x14: {  	s2 =	sld [smem:$0x3F9C];
	s0 =	simm.s32 @p1 $0x1  }
0x15: {  	[smem:$0x3FB9] =	sst s0;
	s0 =	simm.s32 @!p2 $0x0  }
0x16: {  	s3 =	sld [smem:$0x3FDB];
	s0 =	simm.s32 @p2 $0x1  }
0x17: {  	s4 =	simm.s32 $0x1BF5;
	[smem:$0x3FBB] =	sst s0  }
0x18: {  	s0 =	sld [smem:$0x3F9E];
	_ =	swait.ge [sflag:s4], $0x0  }
0x19: {  	s7 =	sld [smem:$0x3F9F]  }
0x1a: {  	s8 =	sadd.s32 $0xFFFFE003, lr  }
0x1b: {  	s9 =	sadd.s32 $0xFFFFFEF7, lr;
	s5 =	simm.s32 $0xFFFFFFFF;
	p2 =	slt.u32 s8, $0xFFFFF086  }
0x1c: {  	p1 =	slt.u32 s9, $0xF7A;
	s5 =	simm.s32 @!p2 $0x0  }
0x1d: {  	s5 =	simm.s32 @p1 $0x1;
	p0 =	seq.s32 s7, s2  }
0x1e: {  	s7 =	smul.u32 @!p0 $0xF7A, s2;
	p2 =	seq.s32 @!p0 s5, $0x0  }
0x1f: {  	s9 =	smul.u32 $0xF7A, s1;
	s8 =	simm.s32 @!p0 $0x1BF5;
	p2 =	por !p2, p0  }
0x20: {  	[sflag:s8] =	ssyncset.s32 @!p0 $0xFFFFF086;
	s6 =	sadd.s32 @!p0 s3, s7;
	s7 =	simm.s32 @!p0 $0x108  }
0x21: {  	s3 =	sadd.s32 s3, s9;
	s6 =	sadd.s32 @!p0 $0x88, s6;
	s7 =	simm.s32 @p2 $0x1082  }
0x22: {  	[simem:s7], [sflag:s8] =	dma.local @!p0 [hbm:s6], $0xF7A  }
0x23: {  	s9 =	sor.u32 $0xD0000000, s2;
	s6 =	simm.s32 $0x108;
	_ =	swait.ge @!p0 [sflag:s8], $0x0  }
0x24: {  	s3 =	sadd.s32 $0x88, s3;
	s6 =	simm.s32 @!p1 $0x1082;
	[sflag:s4] =	ssyncset.s32 $0xFFFFF086  }
0x25: {  	[simem:s6], [sflag:s4] =	dma.local [hbm:s3], $0xF7A  }
0x26: {  	[smem:$0x3F9F] =	sst s1;
	(tag) =	ssettag s2;
	_ =	strace s9  }
0x27: {  	s1 =	sld [smem:$0x3FAF]  }
0x28: {  	s2 =	sld [smem:$0x3FB0]  }
0x29: {  	s4 =	sld [smem:$0x3FB2]  }
0x2a: {  	p0 =	seq.s32 s5, $0x0;
	s5 =	sld [smem:$0x3FB3]  }
0x2b: {  	s6 =	sld [smem:$0x3FB4]  }
0x2c: {  	s7 =	sld [smem:$0x3FB5]  }
0x2d: {  	s3 =	simm.s32 $0x108;
	s8 =	sld [smem:$0x3FB6]  }
0x2e: {  	s3 =	simm.s32 @!p0 $0x1082;
	s9 =	sld [smem:$0x3FB7]  }
0x2f: {  	lr =	sadd.s32 s0, s3;
	s0 =	sld [smem:$0x3FAE]  }
0x30: {  	s3 =	sld [smem:$0x3FB1]  }
0x31: {  	[smem:$0x3FBA] =	sst s10  }
0x32: {  	s10 =	sld [smem:$0x3FB8];
	_ =	sdelay $0x3  }
0x33: {  	p0 =	seq.s32 s10, $0x1;
	s10 =	sld [smem:$0x3FBA];
	_ =	sdelay $0x3  }
0x34: {  	[smem:$0x3FBA] =	sst s10  }
0x35: {  	s10 =	sld [smem:$0x3FB9];
	_ =	sdelay $0x3  }
0x36: {  	p1 =	seq.s32 s10, $0x1;
	s10 =	sld [smem:$0x3FBA];
	_ =	sdelay $0x3  }
0x37: {  	[smem:$0x3FBA] =	sst s10  }
0x38: {  	s10 =	sld [smem:$0x3FBB]  }
0x39: {  	_ = 	snop;
	(pc) =	sbr.ind lr, $3  }
0x3a: {  	_ = 	snop  }
0x3b: {  	_ = 	snop  }
0x3c: {  	p2 =	seq.s32 s10, $0x1;
	s10 =	sld [smem:$0x3FBA]  }
0x3d: {  	_ =	shalt  }
0x3e: {  	_ =	shalt  }
0x3f: {  	_ =	shalt  }
0x40: {  	_ =	shalt  }
0x41: {  	_ =	shalt  }
0x42: {  	_ =	shalt  }
0x43: {  	_ =	shalt  }
0x44: {  	_ =	shalt  }
0x45: {  	_ =	shalt  }
0x46: {  	_ =	shalt  }
0x47: {  	_ =	shalt  }
0x48: {  	_ =	shalt  }
0x49: {  	_ =	shalt  }
0x4a: {  	_ =	shalt  }
0x4b: {  	_ =	shalt  }
0x4c: {  	_ =	shalt  }
0x4d: {  	_ =	shalt  }
0x4e: {  	_ =	shalt  }
0x4f: {  	_ =	shalt  }
0x50: {  	_ =	shalt  }
0x51: {  	_ =	shalt  }
0x52: {  	_ =	shalt  }
0x53: {  	_ =	shalt  }
0x54: {  	_ =	shalt  }
0x55: {  	_ =	shalt  }
0x56: {  	_ =	shalt  }
0x57: {  	_ =	shalt  }
0x58: {  	_ =	shalt  }
0x59: {  	_ =	shalt  }
0x5a: {  	_ =	shalt  }
0x5b: {  	_ =	shalt  }
0x5c: {  	_ =	shalt  }
0x5d: {  	_ =	shalt  }
0x5e: {  	_ =	shalt  }
0x5f: {  	_ =	shalt  }
0x60: {  	_ =	shalt  }
0x61: {  	_ =	shalt  }
0x62: {  	_ =	shalt  }
0x63: {  	_ =	shalt  }
0x64: {  	_ =	shalt  }
0x65: {  	_ =	shalt  }
0x66: {  	_ =	shalt  }
0x67: {  	_ =	shalt  }
0x68: {  	_ =	shalt  }
0x69: {  	_ =	shalt  }
0x6a: {  	_ =	shalt  }
0x6b: {  	_ =	shalt  }
0x6c: {  	_ =	shalt  }
0x6d: {  	_ =	shalt  }
0x6e: {  	_ =	shalt  }
0x6f: {  	_ =	shalt  }
0x70: {  	_ =	shalt  }
0x71: {  	_ =	shalt  }
0x72: {  	_ =	shalt  }
0x73: {  	_ =	shalt  }
0x74: {  	_ =	shalt  }
0x75: {  	_ =	shalt  }
0x76: {  	_ =	shalt  }
0x77: {  	_ =	shalt  }
0x78: {  	_ =	shalt  }
0x79: {  	_ =	shalt  }
0x7a: {  	_ =	shalt  }
0x7b: {  	_ =	shalt  }
0x7c: {  	_ =	shalt  }
0x7d: {  	_ =	shalt  }
0x7e: {  	_ =	shalt  }
0x7f: {  	_ =	shalt  }
0x80: {  	_ =	shalt  }
0x81: {  	_ =	shalt  }
0x82: {  	_ =	shalt  }
0x83: {  	_ =	shalt  }
0x84: {  	_ =	shalt  }
0x85: {  	_ =	shalt  }
0x86: {  	_ =	shalt  }
0x87: {  	_ =	shalt  }
.Lfunc_end0:
.L_simem_size_0:
called_computation_lowered:
.L_overlay_start_0:
0x88: {  	s2 =	sld [smem:$0x3FD9]  }
0x89: {  	s3 =	sld [smem:$0x3FFE];
	_ =	sdelay $0x1  }
0x8a: {  	s1 =	srdreg.scid  }
0x8b: {  	s0 =	sand.u32 $0x1, s1  }
0x8c: {  	s14 =	sshll.u32 s0, $0xA;
	s2 =	sadd.s32 s3, s2  }
0x8d: {  	s2 =	sadd.s32 s2, s14  }
0x8e: {  	[smem:$0x3FC6] =	sst s2  }
0x8f: {  	_ = 	snop  }
0x90: {  	s2 =	sld [smem:$0x3FD0];
	_ =	sdelay $0x2  }
0x91: {  	s15 =	simm.s32 $0xA;
	s4 =	simm.s32 $0x10  }
0x92: {  	[smem:s4], [sflag:s15] =	dma.local [hbm:s2], $0x1  }
0x93: {  	_ =	swait.eq [sflag:s15], $0x1  }
0x94: {  	[sflag:s15] =	ssyncset.done $0x0  }
0x95: {  	[sflag:s15] =	ssyncadd.s32 $0xFFFFFFFF  }
0x96: {  	s16 =	sld [smem:$0x10];
	(tm) =	ssettm $0x1  }
0x97: {  	s17 =	sld [smem:$0x3FFB];
	_ =	sdelay $0x3  }
0x98: {  	_ =	strace s17  }
0x99: {  	s3 =	sld [smem:$0x3FFC];
	_ =	sdelay $0x3  }
0x9a: {  	_ =	strace s3  }
0x9b: {  	s3 =	sld [smem:$0x3FFD];
	_ =	sdelay $0x3  }
0x9c: {  	_ =	strace s3  }
0x9d: {  	_ =	strace $0x8FFFFFFF  }
0x9e: {  	s18 =	sld [smem:$0x3FDB];
	_ =	sdelay $0x1  }
0x9f: {  	s19 =	simm.s32 $_scs_section_size  }
0xa0: {  	s5 =	simm.s32 $_size__tile_overlayer_lowered;
	s6 =	simm.s32 $_tile_overlayer_lowered  }
0xa1: {  	s22 =	simm.s32 $0x1BFF;
	s21 =	sshll.u32 s6, $0x1;
	s3 =	sadd.s32 s19, s18  }
0xa2: {  	s7 =	simm.s32 $0x0;
	s20 =	sshll.u32 s5, $0x1;
	s5 =	sadd.s32 s21, s3  }
0xa3: {  	[timem:s7], [sflag:s22] =	dma.local [hbm:s5], s20  }
0xa4: {  	_ =	swait.ge [sflag:s22], s20  }
0xa5: {  	s4 =	ssub.s32 $0x0, s20;
	[sflag:s22] =	ssyncset.done $0x0  }
0xa6: {  	[sflag:s22] =	ssyncadd.s32 s4;
	_ =	sdelay $0x1  }
0xa7: {  	s23 =	simm.s32 $0x1B8B  }
0xa8: {  	_ =	swait.ge [sflag:s23], $0x1  }
0xa9: {  	[sflag:s23] =	ssyncset.done $0x0  }
0xaa: {  	s25 =	simm.s32 $0x1B8E;
	s24 =	sld [smem:$0x3FFE];
	[sflag:s23] =	ssyncadd.s32 $0xFFFFFFFF  }
0xab: {  	s26 =	simm.s32 $execute0_lowered;
	[smem:$0x3FD2] =	sst s25  }
0xac: {  	s5 =	sshll.u32 s26, $0x1;
	_ =	strace $0x80000046;
	[dreg:$0x1] =	wrdreg $0xFFFFFFFF  }
0xad: {  	s28 =	simm.s32 $_size_execute0_lowered;
	s3 =	sadd.s32 s3, s5;
	[dreg:$0x0] =	wrdreg $0x0  }
0xae: {  	s5 =	sshll.u32 s28, $0x1;
	[dreg:$0x2] =	wrdreg s3  }
0xaf: {  	[dreg:$0x3] =	wrdreg s5  }
0xb0: {  	[dreg:$0x4] =	wrdreg $0xC0  }
0xb1: {  	_ =	task [dreg:s7], $0x5FFFF  }
0xb2: {  	[dreg:$0x1] =	wrdreg $0xFFFFFFFF  }
0xb3: {  	[dreg:$0x0] =	wrdreg $0x60  }
0xb4: {  	[dreg:$0x2] =	wrdreg s16  }
0xb5: {  	[dreg:$0x3] =	wrdreg s24  }
0xb6: {  	[dreg:$0x4] =	wrdreg $0x9  }
0xb7: {  	_ =	task.clear_ibuf [dreg:s7], $0x5FFFF;
	_ =	strace $0x90000046  }
0xb8: {  	s29 =	simm.s32 $0x9;
	_ =	strace $0x80000048  }
0xb9: {  	_ =	swait.ge [sflag:s29], $0x1  }
0xba: {  	[sflag:s29] =	ssyncadd.s32 $0xFFFFFFFF  }
0xbb: {  	_ =	strace $0x90000048  }
0xbc: {  	_ =	sfence  }
0xbd: {  	s30 =	sld [smem:$0x0];
	_ =	sdelay $0x2  }
0xbe: {  	s31 =	sshll.u32 s1, $0xD;
	s1 =	sshrl.u32 s1, $0x2  }
0xbf: {  	s3 =	sand.u32 $0x4000, s31;
	s1 =	sadd.s32 s1, s30  }
0xc0: {  	s0 =	sor.u32 s3, s0;
	s1 =	sshll.u32 s1, $0x11  }
0xc1: {  	s0 =	sor.u32 s1, s0  }
0xc2: {  	s0 =	sadd.s32 $0x8F2B, s0  }
0xc3: {  	[sflag:s0] =	ssyncadd.remote.s32 $0x1  }
0xc4: {  	_ =	sfence.sel $0xFFFF  }
0xc5: {  	[dreg:$0x0] =	wrdreg $0xFFFFFFFF;
	(pc) =	sbr.abs _section_cstart, $3  }
0xc6: {  	[dreg:$0x1] =	wrdreg $0xFFFFFFFF  }
0xc7: {  	_ =	task.clear_ibuf [dreg:s7], $0x2FFFF;
	_ =	strace $0x9FFFFFFF  }
0xc8: {  	(tm) =	ssettm $0x7FFFFFFF  }
0xc9: {  	_ =	shalt  }
tec
execute0_lowered:
.L_overlay_start_1:
0x0: {  	(tag) =	ssettag $0x1  }
0x1: {  	s0 =	rddreg [dreg:$0x1];
	s4 =	stileid.u32  }
0x2: {  	s3 =	simm.s32 $0x0;
	s1 =	srdreg.scid;
	s2 =	sshll.u32 s4, $0x8  }
0x3: {  	s1 =	sand.u32 $0x1, s1;
	s4 =	sshll.u32 s4, $0x1;
	[smem:$0x7FF] =	sst s3  }
0x4: {  	s2 =	sand.u32 $0xC00, s2;
	s4 =	sor.u32 s1, s4;
	_ =	strace $0x80000047  }
0x5: {  	s1 =	ssub.s32 $0x2, s1;
	s5 =	sshll.u32 s4, $0x4;
	s4 =	sshll.u32 s4, $0xC  }
0x6: {  	s2 =	sadd.s32 s2, s0;
	s30 =	sshrl.u32 s1, $0x1;
	s0 =	sadd.s32 s4, s0  }
0x7: {  	s5 =	sand.u32 $0x70, s5;
	s1 =	ssub.s32 s1, s30;
	s0 =	sadd.s32 $0x1200, s0  }
0x8: {  	s2 =	sadd.s32 s5, s2;
	s31 =	smax.u32 s1, $0x1;
	[dreg:$0xd] =	wrdreg s0  }
0x9: {  	s2 =	sadd.s32 $0x200, s2;
	[dreg:$0xe] =	wrdreg s31  }
0xa: {  	s1 =	simm.s32 $0x0;
	[dreg:$0xc] =	wrdreg s2;
	s2 =	simm.s32 $0x1  }
.LBB2_1:
0xb: {  	[dreg:$0xf] =	wrdreg s1  }
0xc: {  	s0 =	rddreg [dreg:$0x0]  }
0xd: {  	[tilespmem:s3], [sflag:$0x1] =	stream.linear.gather [hbm4b:s0+s3], $0x8000, $0x38;
	[tilespmem:$0x10400] =	vst v63  }
0xe: {  	_ =	swait.ge [sflag:s2], $0x8000  }
0xf: {  	s8 =	simm.s32 $0x8000;
	s4 =	simm.s32 $0x80;
	[sflag:s2] =	ssyncset.done $0x0  }
0x10: {  	s5 =	simm.s32 $0x400;
	s9 =	rddreg [dreg:$0xc];
	[sflag:s2] =	ssyncadd.s32 $0xFFFF8000  }
0x11: {  	[tilespmem:s8], [sflag:$0x1] =	stream.strided.gather [hbm4b:s9+s4], $0x400, s5, s4, $0x38;
	[tilespmem:$0x10400] =	vst v63  }
0x12: {  	s19 =	sand.u32 $0x40, s3;
	s10 =	sand.u32 $0x380, s3;
	_ =	swait.ge [sflag:s2], $0x400  }
0x13: {  	s1 =	sor.u32 $0x8000, s10;
	s22 =	sor.u32 $0x30, s19;
	[sflag:s2] =	ssyncset.done $0x0  }
0x14: {  	s11 =	sor.u32 s22, s1;
	[sflag:s2] =	ssyncadd.s32 $0xFFFFFC00  }
0x15: {  	s20 =	sor.u32 $0x10, s19;
	v0 =	vld [tilespmem:s11+$0x0]  }
0x16: {  	s21 =	sor.u32 $0x20, s19;
	s12 =	sor.u32 s20, s1  }
0x17: {  	s1 =	sor.u32 s21, s1;
	v1 =	vld [tilespmem:s12+$0x0]  }
0x18: {  	v2 =	vld [tilespmem:s1+$0x0]  }
0x19: {  	v5 =	vld [tilespmem:s8+$0x0]  }
0x1a: {  	v12 =	vshll.u32 v0, $0x5;
	_ =	sdelay $0x1  }
0x1b: {  	v4 =	vshll.u32 v1, $0x5  }
0x1c: {  	v3 =	vshll.u32 v2, $0x5  }
0x1d: {  	v0 =	vshll.u32 v5, $0x5  }
0x1e: {  	v1 =	vld.idx.msk [tilespmem:v12+s3+$0x0], $0xffff  }
0x1f: {  	v2 =	vor.u32 $0x1, v12  }
0x20: {  	s23 =	sand.u32 $0x1C00, s3;
	v5 =	vld.idx.msk [tilespmem:v4+s3+$0x0], $0xffff  }
0x21: {  	s13 =	sadd.s32 $0x8400, s23;
	v6 =	vor.u32 $0x1, v4;
	v7 =	vld.idx.msk [tilespmem:v3+s3+$0x0], $0xffff  }
0x22: {  	s14 =	sor.u32 s22, s13;
	v8 =	vor.u32 $0x1, v3;
	v9 =	vld.idx.msk [tilespmem:v0+s3+$0x0], $0xffff  }
0x23: {  	[tilespmem:s14+$0x0] =	vst v1;
	v1 =	vor.u32 $0x1, v0  }
0x24: {  	s15 =	sor.u32 s20, s13;
	v2 =	vld.idx.msk [tilespmem:v2+s3+$0x0], $0xffff  }
0x25: {  	s16 =	sor.u32 s21, s13;
	[tilespmem:s15+$0x0] =	vst v5;
	v5 =	vor.u32 $0x2, v12  }
0x26: {  	s0 =	sor.u32 s19, s13;
	[tilespmem:s16+$0x0] =	vst v7;
	v6 =	vld.idx.msk [tilespmem:v6+s3+$0x0], $0xffff  }
0x27: {  	v10 =	vor.u32 $0x2, v4;
	[tilespmem:s0+$0x0] =	vst v9;
	v7 =	vld.idx.msk [tilespmem:v8+s3+$0x0], $0xffff  }
0x28: {  	v8 =	vor.u32 $0x2, v3;
	v1 =	vld.idx.msk [tilespmem:v1+s3+$0x0], $0xffff  }
0x29: {  	[tilespmem:s14+$0x80] =	vst v2;
	v2 =	vor.u32 $0x2, v0  }
0x2a: {  	v5 =	vld.idx.msk [tilespmem:v5+s3+$0x0], $0xffff  }
0x2b: {  	[tilespmem:s15+$0x80] =	vst v6;
	v6 =	vor.u32 $0x3, v12  }
0x2c: {  	[tilespmem:s16+$0x80] =	vst v7;
	v9 =	vld.idx.msk [tilespmem:v10+s3+$0x0], $0xffff  }
0x2d: {  	v10 =	vor.u32 $0x3, v4;
	[tilespmem:s0+$0x80] =	vst v1;
	v1 =	vld.idx.msk [tilespmem:v8+s3+$0x0], $0xffff  }
0x2e: {  	v7 =	vor.u32 $0x3, v3;
	v2 =	vld.idx.msk [tilespmem:v2+s3+$0x0], $0xffff  }
0x2f: {  	[tilespmem:s14+$0x100] =	vst v5;
	v5 =	vor.u32 $0x3, v0  }
0x30: {  	v6 =	vld.idx.msk [tilespmem:v6+s3+$0x0], $0xffff  }
0x31: {  	[tilespmem:s15+$0x100] =	vst v9  }
0x32: {  	v8 =	vor.u32 $0x4, v12;
	v9 =	vld.idx.msk [tilespmem:v10+s3+$0x0], $0xffff;
	[tilespmem:s16+$0x100] =	vst v1  }
0x33: {  	v10 =	vor.u32 $0x4, v4;
	[tilespmem:s0+$0x100] =	vst v2;
	v1 =	vld.idx.msk [tilespmem:v7+s3+$0x0], $0xffff  }
0x34: {  	v2 =	vor.u32 $0x4, v3;
	v5 =	vld.idx.msk [tilespmem:v5+s3+$0x0], $0xffff  }
0x35: {  	[tilespmem:s14+$0x180] =	vst v6;
	v6 =	vor.u32 $0x4, v0  }
0x36: {  	p0 =	por $0x0, $0x0;
	s1 =	simm.s32 $0x1  }
0x37: {  	s1 =	simm.s32 @!p0 $0x0;
	[tilespmem:s15+$0x180] =	vst v9;
	v7 =	vld.idx.msk [tilespmem:v8+s3+$0x0], $0xffff  }
0x38: {  	s1 =	sshll.u32 s1, $0x6;
	v8 =	vor.u32 $0x5, v12;
	v9 =	vld.idx.msk [tilespmem:v10+s3+$0x0], $0xffff;
	[tilespmem:s16+$0x180] =	vst v1  }
0x39: {  	s1 =	sadd.s32 $0x0, s1;
	v10 =	vor.u32 $0x5, v4;
	[tilespmem:s0+$0x180] =	vst v5;
	v1 =	vld.idx.msk [tilespmem:v2+s3+$0x0], $0xffff  }
0x3a: {  	s17 =	sadd.s32 $0x30, s1;
	v2 =	vor.u32 $0x5, v3;
	v5 =	vld.idx.msk [tilespmem:v6+s3+$0x0], $0xffff  }
0x3b: {  	s24 =	sadd.s32 $0x10, s1;
	s18 =	sor.u32 $0x200, s17;
	v6 =	vor.u32 $0x5, v0  }
0x3c: {  	s26 =	sadd.s32 $0x20, s1;
	s25 =	sor.u32 $0x200, s24;
	[tilespmem:s18+$0x8400] =	vst v7  }
0x3d: {  	s7 =	sor.u32 $0x200, s26;
	[tilespmem:s25+$0x8400] =	vst v9;
	v7 =	vld.idx.msk [tilespmem:v8+s3+$0x0], $0xffff  }
0x3e: {  	s6 =	sor.u32 $0x200, s1;
	v8 =	vor.u32 $0x6, v12;
	v9 =	vld.idx.msk [tilespmem:v10+s3+$0x0], $0xffff;
	[tilespmem:s7+$0x8400] =	vst v1  }
0x3f: {  	v10 =	vor.u32 $0x6, v4;
	[tilespmem:s6+$0x8400] =	vst v5;
	v1 =	vld.idx.msk [tilespmem:v2+s3+$0x0], $0xffff  }
0x40: {  	v2 =	vor.u32 $0x6, v3;
	v5 =	vld.idx.msk [tilespmem:v6+s3+$0x0], $0xffff  }
0x41: {  	s8 =	sor.u32 $0x280, s17;
	v6 =	vor.u32 $0x6, v0  }
0x42: {  	s9 =	sor.u32 $0x280, s24;
	[tilespmem:s8+$0x8400] =	vst v7  }
0x43: {  	s10 =	sor.u32 $0x280, s26;
	[tilespmem:s9+$0x8400] =	vst v9;
	v7 =	vld.idx.msk [tilespmem:v8+s3+$0x0], $0xffff  }
0x44: {  	s11 =	sor.u32 $0x280, s1;
	v8 =	vor.u32 $0x7, v12;
	v9 =	vld.idx.msk [tilespmem:v10+s3+$0x0], $0xffff;
	[tilespmem:s10+$0x8400] =	vst v1  }
0x45: {  	v10 =	vor.u32 $0x7, v4;
	[tilespmem:s11+$0x8400] =	vst v5;
	v1 =	vld.idx.msk [tilespmem:v2+s3+$0x0], $0xffff  }
0x46: {  	v2 =	vor.u32 $0x7, v3;
	v5 =	vld.idx.msk [tilespmem:v6+s3+$0x0], $0xffff  }
0x47: {  	s12 =	sor.u32 $0x300, s17;
	v6 =	vor.u32 $0x7, v0  }
0x48: {  	s13 =	sor.u32 $0x300, s24;
	[tilespmem:s12+$0x8400] =	vst v7  }
0x49: {  	s14 =	sor.u32 $0x300, s26;
	[tilespmem:s13+$0x8400] =	vst v9;
	v7 =	vld.idx.msk [tilespmem:v8+s3+$0x0], $0xffff  }
0x4a: {  	s1 =	sor.u32 $0x300, s1;
	v8 =	vor.u32 $0x8, v12;
	v9 =	vld.idx.msk [tilespmem:v10+s3+$0x0], $0xffff;
	[tilespmem:s14+$0x8400] =	vst v1  }
0x4b: {  	v10 =	vor.u32 $0x8, v4;
	[tilespmem:s1+$0x8400] =	vst v5;
	v1 =	vld.idx.msk [tilespmem:v2+s3+$0x0], $0xffff  }
0x4c: {  	v2 =	vor.u32 $0x8, v3;
	v5 =	vld.idx.msk [tilespmem:v6+s3+$0x0], $0xffff  }
0x4d: {  	s15 =	sor.u32 $0x380, s17;
	v6 =	vor.u32 $0x8, v0  }
0x4e: {  	s16 =	sor.u32 $0x380, s24;
	[tilespmem:s15+$0x8400] =	vst v7  }
0x4f: {  	s17 =	sor.u32 s3, s3;
	s18 =	sor.u32 $0x380, s26;
	[tilespmem:s16+$0x8400] =	vst v9;
	v7 =	vld.idx.msk [tilespmem:v8+s3+$0x0], $0xffff  }
0x50: {  	s0 =	sor.u32 $0x380, s17;
	v8 =	vor.u32 $0x9, v12;
	v9 =	vld.idx.msk [tilespmem:v10+s3+$0x0], $0xffff;
	[tilespmem:s18+$0x8400] =	vst v1  }
0x51: {  	v10 =	vor.u32 $0x9, v4;
	[tilespmem:s0+$0x8400] =	vst v5;
	v1 =	vld.idx.msk [tilespmem:v2+s3+$0x0], $0xffff  }
0x52: {  	s24 =	sadd.s32 $0xA400, s23;
	v2 =	vor.u32 $0x9, v3;
	v5 =	vld.idx.msk [tilespmem:v6+s3+$0x0], $0xffff  }
0x53: {  	s25 =	sor.u32 s22, s24;
	v6 =	vor.u32 $0x9, v0  }
0x54: {  	s26 =	sor.u32 s20, s24;
	[tilespmem:s25+$0x0] =	vst v7  }
0x55: {  	s2 =	sor.u32 s21, s24;
	[tilespmem:s26+$0x0] =	vst v9;
	v7 =	vld.idx.msk [tilespmem:v8+s3+$0x0], $0xffff  }
0x56: {  	s1 =	sor.u32 s19, s24;
	v8 =	vor.u32 $0xA, v12;
	v9 =	vld.idx.msk [tilespmem:v10+s3+$0x0], $0xffff;
	[tilespmem:s2+$0x0] =	vst v1  }
0x57: {  	v10 =	vor.u32 $0xA, v4;
	[tilespmem:s1+$0x0] =	vst v5;
	v1 =	vld.idx.msk [tilespmem:v2+s3+$0x0], $0xffff  }
0x58: {  	s4 =	sadd.s32 $0xA480, s23;
	v2 =	vor.u32 $0xA, v3;
	v5 =	vld.idx.msk [tilespmem:v6+s3+$0x0], $0xffff  }
0x59: {  	s5 =	sor.u32 s22, s4;
	v6 =	vor.u32 $0xA, v0  }
0x5a: {  	s6 =	sor.u32 s20, s4;
	[tilespmem:s5+$0x0] =	vst v7  }
0x5b: {  	s7 =	sor.u32 s21, s4;
	[tilespmem:s6+$0x0] =	vst v9;
	v7 =	vld.idx.msk [tilespmem:v8+s3+$0x0], $0xffff  }
0x5c: {  	s0 =	sor.u32 s19, s4;
	v8 =	vor.u32 $0xB, v12;
	v9 =	vld.idx.msk [tilespmem:v10+s3+$0x0], $0xffff;
	[tilespmem:s7+$0x0] =	vst v1  }
0x5d: {  	v10 =	vor.u32 $0xB, v4;
	[tilespmem:s0+$0x0] =	vst v5;
	v1 =	vld.idx.msk [tilespmem:v2+s3+$0x0], $0xffff  }
0x5e: {  	s8 =	sadd.s32 $0xA500, s23;
	v2 =	vor.u32 $0xB, v3;
	v5 =	vld.idx.msk [tilespmem:v6+s3+$0x0], $0xffff  }
0x5f: {  	s9 =	sor.u32 s22, s8;
	v6 =	vor.u32 $0xB, v0  }
0x60: {  	s10 =	sor.u32 s20, s8;
	[tilespmem:s9+$0x0] =	vst v7  }
0x61: {  	s11 =	sor.u32 s21, s8;
	[tilespmem:s10+$0x0] =	vst v9;
	v7 =	vld.idx.msk [tilespmem:v8+s3+$0x0], $0xffff  }
0x62: {  	s1 =	sor.u32 s19, s8;
	v8 =	vor.u32 $0xC, v12;
	v9 =	vld.idx.msk [tilespmem:v10+s3+$0x0], $0xffff;
	[tilespmem:s11+$0x0] =	vst v1  }
0x63: {  	v10 =	vor.u32 $0xC, v4;
	[tilespmem:s1+$0x0] =	vst v5;
	v1 =	vld.idx.msk [tilespmem:v2+s3+$0x0], $0xffff  }
0x64: {  	s12 =	sadd.s32 $0xA580, s23;
	v2 =	vor.u32 $0xC, v3;
	v5 =	vld.idx.msk [tilespmem:v6+s3+$0x0], $0xffff  }
0x65: {  	s13 =	sor.u32 s22, s12;
	v6 =	vor.u32 $0xC, v0  }
0x66: {  	s14 =	sor.u32 s20, s12;
	[tilespmem:s13+$0x0] =	vst v7  }
0x67: {  	s15 =	sor.u32 s21, s12;
	[tilespmem:s14+$0x0] =	vst v9;
	v7 =	vld.idx.msk [tilespmem:v8+s3+$0x0], $0xffff  }
0x68: {  	s0 =	sor.u32 s19, s12;
	v8 =	vor.u32 $0xD, v12;
	v9 =	vld.idx.msk [tilespmem:v10+s3+$0x0], $0xffff;
	[tilespmem:s15+$0x0] =	vst v1  }
0x69: {  	v10 =	vor.u32 $0xD, v4;
	[tilespmem:s0+$0x0] =	vst v5;
	v1 =	vld.idx.msk [tilespmem:v2+s3+$0x0], $0xffff  }
0x6a: {  	s16 =	sadd.s32 $0xA600, s23;
	v2 =	vor.u32 $0xD, v3;
	v5 =	vld.idx.msk [tilespmem:v6+s3+$0x0], $0xffff  }
0x6b: {  	s17 =	sor.u32 s22, s16;
	v6 =	vor.u32 $0xD, v0  }
0x6c: {  	s18 =	sor.u32 s20, s16;
	[tilespmem:s17+$0x0] =	vst v7  }
0x6d: {  	s24 =	sor.u32 s21, s16;
	[tilespmem:s18+$0x0] =	vst v9;
	v7 =	vld.idx.msk [tilespmem:v8+s3+$0x0], $0xffff  }
0x6e: {  	s1 =	sor.u32 s19, s16;
	v8 =	vor.u32 $0xE, v12;
	v9 =	vld.idx.msk [tilespmem:v10+s3+$0x0], $0xffff;
	[tilespmem:s24+$0x0] =	vst v1  }
0x6f: {  	v10 =	vor.u32 $0xE, v4;
	[tilespmem:s1+$0x0] =	vst v5;
	v1 =	vld.idx.msk [tilespmem:v2+s3+$0x0], $0xffff  }
0x70: {  	s25 =	sadd.s32 $0xA680, s23;
	v2 =	vor.u32 $0xE, v3;
	v5 =	vld.idx.msk [tilespmem:v6+s3+$0x0], $0xffff  }
0x71: {  	s26 =	sor.u32 s22, s25;
	v6 =	vor.u32 $0xE, v0  }
0x72: {  	s2 =	sor.u32 s20, s25;
	[tilespmem:s26+$0x0] =	vst v7  }
0x73: {  	s4 =	sor.u32 s21, s25;
	[tilespmem:s2+$0x0] =	vst v9;
	v7 =	vld.idx.msk [tilespmem:v8+s3+$0x0], $0xffff  }
0x74: {  	s0 =	sor.u32 s19, s25;
	v8 =	vor.u32 $0xF, v12;
	v9 =	vld.idx.msk [tilespmem:v10+s3+$0x0], $0xffff;
	[tilespmem:s4+$0x0] =	vst v1  }
0x75: {  	v10 =	vor.u32 $0xF, v4;
	[tilespmem:s0+$0x0] =	vst v5;
	v1 =	vld.idx.msk [tilespmem:v2+s3+$0x0], $0xffff  }
0x76: {  	s5 =	sadd.s32 $0xA700, s23;
	v2 =	vor.u32 $0xF, v3;
	v5 =	vld.idx.msk [tilespmem:v6+s3+$0x0], $0xffff  }
0x77: {  	s6 =	sor.u32 s22, s5;
	v6 =	vor.u32 $0xF, v0  }
0x78: {  	s7 =	sor.u32 s20, s5;
	[tilespmem:s6+$0x0] =	vst v7  }
0x79: {  	s8 =	sor.u32 s21, s5;
	[tilespmem:s7+$0x0] =	vst v9;
	v7 =	vld.idx.msk [tilespmem:v8+s3+$0x0], $0xffff  }
0x7a: {  	s1 =	sor.u32 s19, s5;
	v8 =	vor.u32 $0x10, v12;
	v9 =	vld.idx.msk [tilespmem:v10+s3+$0x0], $0xffff;
	[tilespmem:s8+$0x0] =	vst v1  }
0x7b: {  	v10 =	vor.u32 $0x10, v4;
	[tilespmem:s1+$0x0] =	vst v5;
	v1 =	vld.idx.msk [tilespmem:v2+s3+$0x0], $0xffff  }
0x7c: {  	s9 =	sadd.s32 $0xA780, s23;
	v2 =	vor.u32 $0x10, v3;
	v5 =	vld.idx.msk [tilespmem:v6+s3+$0x0], $0xffff  }
0x7d: {  	s12 =	simm.s32 $0x8040;
	s10 =	sor.u32 s22, s9;
	v6 =	vor.u32 $0x10, v0  }
0x7e: {  	v11 =	vld [tilespmem:s12+$0x0];
	s11 =	sor.u32 s20, s9;
	[tilespmem:s10+$0x0] =	vst v7  }
0x7f: {  	s13 =	sor.u32 s21, s9;
	[tilespmem:s11+$0x0] =	vst v9;
	s11 =	simm.s32 $0x40;
	v7 =	vld.idx.msk [tilespmem:v8+s3+$0x0], $0xffff  }
0x80: {  	s0 =	sor.u32 s19, s9;
	v8 =	vor.u32 $0x11, v12;
	v9 =	vld.idx.msk [tilespmem:v10+s3+$0x0], $0xffff;
	s16 =	sand.u32 $0x40, s11;
	s17 =	sand.u32 $0x380, s11;
	[tilespmem:s13+$0x0] =	vst v1  }
0x81: {  	v10 =	vor.u32 $0x11, v4;
	s18 =	sor.u32 $0x8000, s17;
	s24 =	sor.u32 $0x20, s16;
	[tilespmem:s0+$0x0] =	vst v5;
	v2 =	vld.idx.msk [tilespmem:v2+s3+$0x0], $0xffff  }
0x82: {  	s14 =	sadd.s32 $0xC400, s23;
	s12 =	sor.u32 $0x30, s16;
	s0 =	sor.u32 s24, s18;
	v5 =	vld.idx.msk [tilespmem:v6+s3+$0x0], $0xffff  }
0x83: {  	s15 =	sor.u32 s22, s14;
	s26 =	sor.u32 s12, s18;
	v15 =	vld [tilespmem:s0+$0x0]  }
0x84: {  	s25 =	sor.u32 s20, s14;
	[tilespmem:s15+$0x0] =	vst v7;
	v7 =	vld [tilespmem:s26+$0x0]  }
0x85: {  	[tilespmem:s25+$0x0] =	vst v9;
	s25 =	sor.u32 $0x10, s16;
	v1 =	vld.idx.msk [tilespmem:v8+s3+$0x0], $0xffff;
	v8 =	vor.u32 $0x11, v3  }
0x86: {  	v9 =	vld.idx.msk [tilespmem:v10+s3+$0x0], $0xffff;
	s4 =	sor.u32 s25, s18;
	v10 =	vor.u32 $0x11, v0  }
0x87: {  	s7 =	sor.u32 s21, s14;
	v6 =	vor.u32 $0x12, v12;
	v13 =	vld [tilespmem:s4+$0x0]  }
0x88: {  	v14 =	vor.u32 $0x12, v4;
	s5 =	sadd.s32 $0xC480, s23;
	s8 =	sor.u32 s19, s14;
	[tilespmem:s7+$0x0] =	vst v2  }
0x89: {  	s6 =	sor.u32 s22, s5;
	[tilespmem:s8+$0x0] =	vst v5;
	v2 =	vshll.u32 v7, $0x5  }
0x8a: {  	[tilespmem:s6+$0x0] =	vst v1;
	v1 =	vshll.u32 v11, $0x5;
	v5 =	vld.idx.msk [tilespmem:v8+s3+$0x0], $0xffff  }
0x8b: {  	s9 =	sor.u32 s20, s5;
	v28 =	vshll.u32 v15, $0x5;
	v8 =	vld.idx.msk [tilespmem:v10+s3+$0x0], $0xffff  }
0x8c: {  	[tilespmem:s9+$0x0] =	vst v9;
	v6 =	vld.idx.msk [tilespmem:v6+s3+$0x0], $0xffff;
	v30 =	vshll.u32 v13, $0x5  }
0x8d: {  	v10 =	vor.u32 $0x12, v3;
	v9 =	vld.idx.msk [tilespmem:v14+s3+$0x0], $0xffff  }
0x8e: {  	v13 =	vor.u32 $0x12, v0;
	v14 =	vld.idx.msk [tilespmem:v2+s3+$0x0], $0xffff  }
0x8f: {  	s26 =	sor.u32 s21, s5;
	v7 =	vor.u32 $0x13, v12;
	v11 =	vld.idx.msk [tilespmem:v1+s3+$0x0], $0xffff  }
0x90: {  	s2 =	sor.u32 s19, s5;
	s10 =	sadd.s32 $0xC500, s23;
	[tilespmem:s26+$0x0] =	vst v5;
	v5 =	vld.idx.msk [tilespmem:v28+s3+$0x0], $0xffff  }
0x91: {  	s13 =	simm.s32 $0x200;
	s18 =	sor.u32 s22, s10;
	v16 =	vor.u32 $0x1, v2;
	[tilespmem:s2+$0x0] =	vst v8;
	v15 =	vld.idx.msk [tilespmem:v30+s3+$0x0], $0xffff  }
0x92: {  	s15 =	sand.u32 $0x1C00, s13;
	s4 =	sor.u32 s20, s10;
	[tilespmem:s18+$0x0] =	vst v6;
	v6 =	vor.u32 $0x13, v4;
	v8 =	vld.idx.msk [tilespmem:v10+s3+$0x0], $0xffff  }
0x93: {  	s7 =	sadd.s32 $0x8400, s15;
	v10 =	vor.u32 $0x1, v28;
	[tilespmem:s4+$0x0] =	vst v9;
	v9 =	vld.idx.msk [tilespmem:v13+s3+$0x0], $0xffff  }
0x94: {  	s5 =	sor.u32 s12, s7;
	v13 =	vor.u32 $0x1, v1;
	v7 =	vld.idx.msk [tilespmem:v7+s3+$0x0], $0xffff  }
0x95: {  	v17 =	vor.u32 $0x14, v12;
	s4 =	sor.u32 s24, s7;
	[tilespmem:s5+$0x0] =	vst v14  }
0x96: {  	s1 =	sor.u32 s16, s7;
	v18 =	vor.u32 $0x1, v30;
	v16 =	vld.idx.msk [tilespmem:v16+s3+$0x0], $0xffff;
	[tilespmem:s4+$0x0] =	vst v5  }
0x97: {  	s14 =	sadd.s32 $0xC580, s23;
	s18 =	sor.u32 s25, s7;
	v14 =	vor.u32 $0x13, v3;
	[tilespmem:s1+$0x0] =	vst v11;
	v6 =	vld.idx.msk [tilespmem:v6+s3+$0x0], $0xffff  }
0x98: {  	s17 =	sor.u32 s22, s14;
	v5 =	vor.u32 $0x2, v2;
	[tilespmem:s18+$0x0] =	vst v15;
	v10 =	vld.idx.msk [tilespmem:v10+s3+$0x0], $0xffff  }
0x99: {  	s26 =	sor.u32 s21, s10;
	v13 =	vld.idx.msk [tilespmem:v13+s3+$0x0], $0xffff;
	[tilespmem:s17+$0x0] =	vst v7;
	v7 =	vor.u32 $0x13, v0  }
0x9a: {  	s0 =	sor.u32 s19, s10;
	[tilespmem:s26+$0x0] =	vst v8;
	v8 =	vor.u32 $0x2, v28;
	v15 =	vld.idx.msk [tilespmem:v17+s3+$0x0], $0xffff  }
0x9b: {  	v11 =	vor.u32 $0x15, v12;
	[tilespmem:s0+$0x0] =	vst v9;
	v17 =	vld.idx.msk [tilespmem:v18+s3+$0x0], $0xffff  }
0x9c: {  	v18 =	vor.u32 $0x2, v30;
	v9 =	vld.idx.msk [tilespmem:v14+s3+$0x0], $0xffff;
	[tilespmem:s5+$0x80] =	vst v16  }
0x9d: {  	s7 =	sadd.s32 $0xC600, s23;
	v14 =	vor.u32 $0x2, v1;
	v5 =	vld.idx.msk [tilespmem:v5+s3+$0x0], $0xffff;
	[tilespmem:s4+$0x80] =	vst v10  }
0x9e: {  	s8 =	sor.u32 s22, s7;
	v16 =	vor.u32 $0x14, v4;
	[tilespmem:s1+$0x80] =	vst v13;
	v7 =	vld.idx.msk [tilespmem:v7+s3+$0x0], $0xffff  }
0x9f: {  	v10 =	vor.u32 $0x3, v2;
	v8 =	vld.idx.msk [tilespmem:v8+s3+$0x0], $0xffff;
	[tilespmem:s8+$0x0] =	vst v15  }
0xa0: {  	s9 =	sor.u32 s20, s14;
	v15 =	vor.u32 $0x14, v3;
	[tilespmem:s18+$0x80] =	vst v17;
	v11 =	vld.idx.msk [tilespmem:v11+s3+$0x0], $0xffff  }
0xa1: {  	[tilespmem:s9+$0x0] =	vst v6;
	v6 =	vor.u32 $0x3, v28;
	s8 =	sor.u32 s21, s14;
	v17 =	vld.idx.msk [tilespmem:v18+s3+$0x0], $0xffff  }
0xa2: {  	v13 =	vor.u32 $0x16, v12;
	v14 =	vld.idx.msk [tilespmem:v14+s3+$0x0], $0xffff;
	[tilespmem:s8+$0x0] =	vst v9  }
0xa3: {  	v18 =	vor.u32 $0x3, v30;
	v16 =	vld.idx.msk [tilespmem:v16+s3+$0x0], $0xffff;
	[tilespmem:s5+$0x100] =	vst v5  }
0xa4: {  	s2 =	sor.u32 s19, s14;
	s0 =	sadd.s32 $0xC680, s23;
	v9 =	vor.u32 $0x3, v1;
	v10 =	vld.idx.msk [tilespmem:v10+s3+$0x0], $0xffff;
	[tilespmem:s4+$0x100] =	vst v8  }
0xa5: {  	s10 =	sor.u32 s22, s0;
	[tilespmem:s2+$0x0] =	vst v7;
	v5 =	vld.idx.msk [tilespmem:v15+s3+$0x0], $0xffff;
	v15 =	vor.u32 $0x14, v0  }
0xa6: {  	v8 =	vor.u32 $0x4, v2;
	v6 =	vld.idx.msk [tilespmem:v6+s3+$0x0], $0xffff;
	[tilespmem:s10+$0x0] =	vst v11  }
0xa7: {  	v11 =	vor.u32 $0x15, v4;
	[tilespmem:s18+$0x100] =	vst v17;
	v13 =	vld.idx.msk [tilespmem:v13+s3+$0x0], $0xffff  }
0xa8: {  	s14 =	sor.u32 s20, s7;
	v7 =	vor.u32 $0x4, v28;
	[tilespmem:s1+$0x100] =	vst v14;
	v17 =	vld.idx.msk [tilespmem:v18+s3+$0x0], $0xffff  }
0xa9: {  	v14 =	vor.u32 $0x17, v12;
	v9 =	vld.idx.msk [tilespmem:v9+s3+$0x0], $0xffff;
	[tilespmem:s14+$0x0] =	vst v16  }
0xaa: {  	s2 =	sadd.s32 $0xC700, s23;
	v18 =	vor.u32 $0x4, v30;
	[tilespmem:s5+$0x180] =	vst v10;
	v15 =	vld.idx.msk [tilespmem:v15+s3+$0x0], $0xffff  }
0xab: {  	p0 =	por !p0, !p0;
	s6 =	simm.s32 $0x1;
	s17 =	sor.u32 s22, s2;
	v16 =	vor.u32 $0x4, v1;
	v8 =	vld.idx.msk [tilespmem:v8+s3+$0x0], $0xffff;
	[tilespmem:s4+$0x180] =	vst v6  }
0xac: {  	s6 =	simm.s32 @!p0 $0x0;
	v10 =	vld.idx.msk [tilespmem:v11+s3+$0x0], $0xffff;
	v11 =	vor.u32 $0x15, v3;
	[tilespmem:s17+$0x0] =	vst v13  }
0xad: {  	s26 =	sor.u32 s21, s7;
	v7 =	vld.idx.msk [tilespmem:v7+s3+$0x0], $0xffff;
	[tilespmem:s18+$0x180] =	vst v17;
	v13 =	vor.u32 $0x15, v0;
	s18 =	sshll.u32 s6, $0x6  }
0xae: {  	v6 =	vor.u32 $0x5, v2;
	[tilespmem:s26+$0x0] =	vst v5;
	v14 =	vld.idx.msk [tilespmem:v14+s3+$0x0], $0xffff;
	s8 =	sadd.s32 $0x200, s18  }
0xaf: {  	v5 =	vor.u32 $0x5, v28;
	[tilespmem:s1+$0x180] =	vst v9;
	s6 =	sor.u32 s19, s7;
	v17 =	vld.idx.msk [tilespmem:v18+s3+$0x0], $0xffff;
	s7 =	sadd.s32 $0x30, s8  }
0xb0: {  	v9 =	vor.u32 $0x18, v12;
	v16 =	vld.idx.msk [tilespmem:v16+s3+$0x0], $0xffff;
	s9 =	sor.u32 $0x200, s7;
	[tilespmem:s6+$0x0] =	vst v15  }
0xb1: {  	v18 =	vor.u32 $0x5, v30;
	s18 =	sor.u32 s20, s0;
	s6 =	sadd.s32 $0x20, s8;
	v11 =	vld.idx.msk [tilespmem:v11+s3+$0x0], $0xffff;
	[tilespmem:s9+$0x8400] =	vst v8  }
0xb2: {  	s4 =	sadd.s32 $0xC780, s23;
	v15 =	vor.u32 $0x5, v1;
	s14 =	sor.u32 $0x200, s6;
	[tilespmem:s18+$0x0] =	vst v10;
	v8 =	vld.idx.msk [tilespmem:v13+s3+$0x0], $0xffff  }
0xb3: {  	s10 =	sor.u32 s22, s4;
	s5 =	sadd.s32 $0x10, s8;
	v13 =	vor.u32 $0x16, v4;
	v6 =	vld.idx.msk [tilespmem:v6+s3+$0x0], $0xffff;
	[tilespmem:s14+$0x8400] =	vst v7  }
0xb4: {  	s9 =	sor.u32 $0x200, s5;
	[tilespmem:s10+$0x0] =	vst v14;
	v14 =	vor.u32 $0x16, v3;
	v5 =	vld.idx.msk [tilespmem:v5+s3+$0x0], $0xffff  }
0xb5: {  	s17 =	sor.u32 $0x200, s8;
	v7 =	vor.u32 $0x6, v2;
	[tilespmem:s9+$0x8400] =	vst v17;
	v9 =	vld.idx.msk [tilespmem:v9+s3+$0x0], $0xffff  }
0xb6: {  	s26 =	sor.u32 s21, s0;
	v10 =	vor.u32 $0x6, v28;
	[tilespmem:s17+$0x8400] =	vst v16;
	v17 =	vld.idx.msk [tilespmem:v18+s3+$0x0], $0xffff  }
0xb7: {  	v16 =	vor.u32 $0x19, v12;
	s10 =	sor.u32 $0x280, s7;
	v15 =	vld.idx.msk [tilespmem:v15+s3+$0x0], $0xffff;
	[tilespmem:s26+$0x0] =	vst v11  }
0xb8: {  	s0 =	sor.u32 s19, s0;
	v18 =	vor.u32 $0x6, v30;
	v13 =	vld.idx.msk [tilespmem:v13+s3+$0x0], $0xffff;
	[tilespmem:s10+$0x8400] =	vst v6  }
0xb9: {  	s1 =	sadd.s32 $0xE400, s23;
	s18 =	sor.u32 $0x280, s6;
	v11 =	vor.u32 $0x6, v1;
	[tilespmem:s0+$0x0] =	vst v8;
	v6 =	vld.idx.msk [tilespmem:v14+s3+$0x0], $0xffff  }
0xba: {  	s14 =	sor.u32 s22, s1;
	v7 =	vld.idx.msk [tilespmem:v7+s3+$0x0], $0xffff;
	v14 =	vor.u32 $0x16, v0;
	[tilespmem:s18+$0x8400] =	vst v5  }
0xbb: {  	s17 =	sor.u32 $0x280, s5;
	[tilespmem:s14+$0x0] =	vst v9;
	v9 =	vor.u32 $0x17, v4;
	v10 =	vld.idx.msk [tilespmem:v10+s3+$0x0], $0xffff  }
0xbc: {  	s26 =	sor.u32 $0x280, s8;
	v5 =	vor.u32 $0x7, v2;
	[tilespmem:s17+$0x8400] =	vst v17;
	v16 =	vld.idx.msk [tilespmem:v16+s3+$0x0], $0xffff  }
0xbd: {  	s14 =	sor.u32 s20, s2;
	v17 =	vld.idx.msk [tilespmem:v18+s3+$0x0], $0xffff;
	[tilespmem:s26+$0x8400] =	vst v15;
	v15 =	vor.u32 $0x1A, v12  }
0xbe: {  	v8 =	vor.u32 $0x7, v28;
	s17 =	sor.u32 $0x300, s7;
	v11 =	vld.idx.msk [tilespmem:v11+s3+$0x0], $0xffff;
	[tilespmem:s14+$0x0] =	vst v13  }
0xbf: {  	s0 =	sadd.s32 $0xE480, s23;
	v18 =	vor.u32 $0x7, v30;
	s14 =	sor.u32 $0x300, s6;
	v14 =	vld.idx.msk [tilespmem:v14+s3+$0x0], $0xffff;
	[tilespmem:s17+$0x8400] =	vst v7  }
0xc0: {  	s18 =	sor.u32 s22, s0;
	v13 =	vor.u32 $0x7, v1;
	v7 =	vld.idx.msk [tilespmem:v9+s3+$0x0], $0xffff;
	[tilespmem:s14+$0x8400] =	vst v10  }
0xc1: {  	s17 =	sor.u32 s21, s2;
	v9 =	vor.u32 $0x17, v3;
	v5 =	vld.idx.msk [tilespmem:v5+s3+$0x0], $0xffff;
	[tilespmem:s18+$0x0] =	vst v16  }
0xc2: {  	s26 =	sor.u32 $0x300, s5;
	[tilespmem:s17+$0x0] =	vst v6;
	v16 =	vor.u32 $0x17, v0;
	v15 =	vld.idx.msk [tilespmem:v15+s3+$0x0], $0xffff  }
0xc3: {  	s8 =	sor.u32 $0x300, s8;
	v10 =	vor.u32 $0x8, v2;
	[tilespmem:s26+$0x8400] =	vst v17;
	v8 =	vld.idx.msk [tilespmem:v8+s3+$0x0], $0xffff  }
0xc4: {  	s2 =	sor.u32 s19, s2;
	v17 =	vld.idx.msk [tilespmem:v18+s3+$0x0], $0xffff;
	[tilespmem:s8+$0x8400] =	vst v11  }
0xc5: {  	s7 =	sor.u32 $0x380, s7;
	v13 =	vld.idx.msk [tilespmem:v13+s3+$0x0], $0xffff;
	[tilespmem:s2+$0x0] =	vst v14;
	s2 =	sadd.s32 $0xE500, s23  }
0xc6: {  	v11 =	vor.u32 $0x1B, v12;
	v9 =	vld.idx.msk [tilespmem:v9+s3+$0x0], $0xffff;
	[tilespmem:s7+$0x8400] =	vst v5;
	s18 =	sor.u32 s22, s2  }
0xc7: {  	s26 =	simm.s32 $0x40;
	v18 =	vor.u32 $0x8, v30;
	v5 =	vld.idx.msk [tilespmem:v16+s3+$0x0], $0xffff;
	[tilespmem:s18+$0x0] =	vst v15  }
0xc8: {  	v6 =	vor.u32 $0x8, v28;
	s8 =	simm.s32 $0x200;
	v10 =	vld.idx.msk [tilespmem:v10+s3+$0x0], $0xffff;
	[dreg:$0x3] =	wrdreg s26  }
0xc9: {  	s5 =	sor.u32 $0x380, s5;
	v14 =	vor.u32 $0x8, v1;
	[dreg:$0x4] =	wrdreg s8  }
0xca: {  	s9 =	sor.u32 s13, s11;
	s6 =	sor.u32 $0x380, s6;
	v16 =	vor.u32 $0x18, v4;
	[tilespmem:s5+$0x8400] =	vst v17  }
0xcb: {  	s10 =	sor.u32 $0x380, s9;
	v15 =	vor.u32 $0x18, v3;
	v11 =	vld.idx.msk [tilespmem:v11+s3+$0x0], $0xffff;
	[tilespmem:s6+$0x8400] =	vst v8  }
0xcc: {  	s11 =	sor.u32 s20, s4;
	v8 =	vor.u32 $0x9, v2;
	[tilespmem:s10+$0x8400] =	vst v13;
	v17 =	vld.idx.msk [tilespmem:v18+s3+$0x0], $0xffff  }
0xcd: {  	s13 =	sor.u32 s21, s4;
	s14 =	sadd.s32 $0xA400, s15;
	v13 =	vor.u32 $0x1C, v12;
	[tilespmem:s11+$0x0] =	vst v7;
	v6 =	vld.idx.msk [tilespmem:v6+s3+$0x0], $0xffff  }
0xce: {  	s17 =	sor.u32 s12, s14;
	v18 =	vor.u32 $0x9, v30;
	v14 =	vld.idx.msk [tilespmem:v14+s3+$0x0], $0xffff;
	[tilespmem:s13+$0x0] =	vst v9  }
0xcf: {  	s4 =	sor.u32 s19, s4;
	v7 =	vor.u32 $0x9, v28;
	s5 =	sadd.s32 $0xE580, s23;
	v16 =	vld.idx.msk [tilespmem:v16+s3+$0x0], $0xffff;
	[tilespmem:s17+$0x0] =	vst v10  }
0xd0: {  	v9 =	vor.u32 $0x9, v1;
	s18 =	sor.u32 s22, s5;
	[tilespmem:s4+$0x0] =	vst v5;
	v10 =	vld.idx.msk [tilespmem:v15+s3+$0x0], $0xffff  }
0xd1: {  	s26 =	sor.u32 s25, s14;
	v15 =	vor.u32 $0x18, v0;
	v8 =	vld.idx.msk [tilespmem:v8+s3+$0x0], $0xffff;
	[tilespmem:s18+$0x0] =	vst v11  }
0xd2: {  	v20 =	vor.u32 $0x19, v3;
	s9 =	sor.u32 s24, s14;
	[tilespmem:s26+$0x0] =	vst v17;
	v13 =	vld.idx.msk [tilespmem:v13+s3+$0x0], $0xffff  }
0xd3: {  	s10 =	sor.u32 s16, s14;
	[tilespmem:s9+$0x0] =	vst v6;
	v6 =	vor.u32 $0xA, v2;
	v17 =	vld.idx.msk [tilespmem:v18+s3+$0x0], $0xffff  }
0xd4: {  	s11 =	sor.u32 s20, s1;
	[tilespmem:s10+$0x0] =	vst v14;
	v14 =	vor.u32 $0x1D, v12;
	v7 =	vld.idx.msk [tilespmem:v7+s3+$0x0], $0xffff  }
0xd5: {  	s13 =	sadd.s32 $0xA480, s15;
	s9 =	sor.u32 s21, s1;
	v18 =	vor.u32 $0xA, v30;
	v9 =	vld.idx.msk [tilespmem:v9+s3+$0x0], $0xffff;
	[tilespmem:s11+$0x0] =	vst v16  }
0xd6: {  	v19 =	vor.u32 $0xA, v28;
	s14 =	sor.u32 s12, s13;
	s4 =	sadd.s32 $0xE600, s23;
	v15 =	vld.idx.msk [tilespmem:v15+s3+$0x0], $0xffff;
	[tilespmem:s9+$0x0] =	vst v10  }
0xd7: {  	s17 =	sor.u32 s22, s4;
	v11 =	vor.u32 $0x19, v4;
	v10 =	vld.idx.msk [tilespmem:v20+s3+$0x0], $0xffff;
	[tilespmem:s14+$0x0] =	vst v8  }
0xd8: {  	s18 =	sor.u32 s25, s13;
	v16 =	vor.u32 $0xA, v1;
	v6 =	vld.idx.msk [tilespmem:v6+s3+$0x0], $0xffff;
	[tilespmem:s17+$0x0] =	vst v13  }
0xd9: {  	s26 =	sor.u32 s24, s13;
	[tilespmem:s18+$0x0] =	vst v17;
	v17 =	vor.u32 $0x19, v0;
	v14 =	vld.idx.msk [tilespmem:v14+s3+$0x0], $0xffff  }
0xda: {  	v40 =	vor.u32 $0x1B, v3;
	s7 =	sor.u32 s16, s13;
	[tilespmem:s26+$0x0] =	vst v7;
	v7 =	vor.u32 $0xB, v2;
	v18 =	vld.idx.msk [tilespmem:v18+s3+$0x0], $0xffff  }
0xdb: {  	v31 =	vor.u32 $0x1C, v4;
	v33 =	vor.u32 $0x1C, v3;
	s1 =	sor.u32 s19, s1;
	s10 =	sadd.s32 $0xA500, s15;
	[tilespmem:s7+$0x0] =	vst v9;
	v9 =	vld.idx.msk [tilespmem:v19+s3+$0x0], $0xffff;
	v19 =	vor.u32 $0x1E, v12  }
0xdc: {  	v29 =	vor.u32 $0x1D, v4;
	v25 =	vor.u32 $0x1E, v4;
	v21 =	vor.u32 $0xB, v30;
	s11 =	sor.u32 s12, s10;
	v8 =	vld.idx.msk [tilespmem:v11+s3+$0x0], $0xffff;
	[tilespmem:s1+$0x0] =	vst v15;
	s1 =	sadd.s32 $0xE680, s23  }
0xdd: {  	v27 =	vor.u32 $0x1D, v3;
	v24 =	vor.u32 $0x1F, v4;
	v26 =	vor.u32 $0x1E, v3;
	v16 =	vld.idx.msk [tilespmem:v16+s3+$0x0], $0xffff;
	s13 =	sor.u32 s22, s1;
	[tilespmem:s11+$0x0] =	vst v6  }
0xde: {  	v23 =	vor.u32 $0x1F, v3;
	s14 =	sor.u32 s25, s10;
	v13 =	vor.u32 $0x1A, v3;
	v3 =	vor.u32 $0xB, v1;
	v6 =	vld.idx.msk [tilespmem:v17+s3+$0x0], $0xffff;
	[tilespmem:s13+$0x0] =	vst v14  }
0xdf: {  	v5 =	vor.u32 $0x1B, v4;
	v11 =	vor.u32 $0x1A, v4;
	v4 =	vor.u32 $0xB, v28;
	s17 =	sor.u32 s24, s10;
	v7 =	vld.idx.msk [tilespmem:v7+s3+$0x0], $0xffff;
	[tilespmem:s14+$0x0] =	vst v18  }
0xe0: {  	s26 =	sor.u32 s19, s2;
	v14 =	vld.idx.msk [tilespmem:v19+s3+$0x0], $0xffff;
	[tilespmem:s17+$0x0] =	vst v9  }
0xe1: {  	s7 =	sor.u32 s16, s10;
	v18 =	vld.idx.msk [tilespmem:v21+s3+$0x0], $0xffff;
	[dreg:$0x8] =	wrdreg s26  }
0xe2: {  	v48 =	vor.u32 $0xD, v28;
	s18 =	sor.u32 s20, s0;
	[tilespmem:s7+$0x0] =	vst v16  }
0xe3: {  	v47 =	vor.u32 $0xE, v28;
	v45 =	vor.u32 $0xF, v28;
	[tilespmem:s18+$0x0] =	vst v8;
	v16 =	vld.idx.msk [tilespmem:v3+s3+$0x0], $0xffff;
	v3 =	vor.u32 $0x14, v30  }
0xe4: {  	s30 =	smov.u32 s16;
	v44 =	vor.u32 $0x10, v28;
	v35 =	vor.u32 $0x11, v28;
	v4 =	vld.idx.msk [tilespmem:v4+s3+$0x0], $0xffff;
	[tilespmem:$0x1FFD0] =	vst v3;
	v3 =	vor.u32 $0x13, v28  }
0xe5: {  	v55 =	vor.u32 $0x12, v28;
	v59 =	vor.u32 $0x15, v28;
	s10 =	sadd.s32 $0xA580, s15;
	s13 =	sor.u32 s19, s0;
	s0 =	sor.u32 s21, s0;
	v9 =	vor.u32 $0xC, v2;
	[tilespmem:$0x1FFE0] =	vst v3  }
0xe6: {  	v60 =	vor.u32 $0x16, v28;
	s9 =	sor.u32 s19, s5;
	v12 =	vor.u32 $0x1F, v12;
	s8 =	sor.u32 s12, s10;
	s6 =	sor.u32 s25, s10;
	v3 =	vor.u32 $0x14, v28;
	[tilespmem:s0+$0x0] =	vst v10  }
0xe7: {  	v51 =	vor.u32 $0x17, v28;
	v41 =	vor.u32 $0x18, v28;
	v15 =	vor.u32 $0xC, v30;
	s28 =	sor.u32 s19, s1;
	s11 =	sor.u32 s21, s2;
	s17 =	sadd.s32 $0xE700, s23;
	v11 =	vld.idx.msk [tilespmem:v11+s3+$0x0], $0xffff;
	[tilespmem:$0x1FFF0] =	vst v3  }
0xe8: {  	v43 =	vor.u32 $0x1B, v28;
	v39 =	vor.u32 $0x1C, v28;
	v17 =	vor.u32 $0xC, v28;
	s14 =	sor.u32 s20, s2;
	s2 =	sor.u32 s21, s1;
	s18 =	sor.u32 s22, s17;
	[tilespmem:s8+$0x0] =	vst v7  }
0xe9: {  	v37 =	vor.u32 $0x1D, v28;
	v49 =	vor.u32 $0xD, v30;
	s26 =	sor.u32 s20, s5;
	s5 =	sor.u32 s21, s5;
	s29 =	sor.u32 s19, s17;
	v10 =	vor.u32 $0xC, v1;
	v3 =	vld.idx.msk [tilespmem:v13+s3+$0x0], $0xffff;
	[tilespmem:s18+$0x0] =	vst v14  }
0xea: {  	v46 =	vor.u32 $0xE, v30;
	v62 =	vor.u32 $0xF, v30;
	s31 =	sor.u32 s21, s17;
	s7 =	sor.u32 s20, s4;
	v14 =	vor.u32 $0x1A, v0;
	[tilespmem:s6+$0x0] =	vst v18;
	s8 =	sor.u32 s24, s10;
	v13 =	vld.idx.msk [tilespmem:v9+s3+$0x0], $0xffff  }
0xeb: {  	v58 =	vor.u32 $0x10, v30;
	v50 =	vor.u32 $0x11, v30;
	v34 =	vor.u32 $0x12, v30;
	s0 =	sor.u32 s19, s4;
	s4 =	sor.u32 s21, s4;
	s10 =	sor.u32 s16, s10;
	v12 =	vld.idx.msk [tilespmem:v12+s3+$0x0], $0xffff;
	[tilespmem:s8+$0x0] =	vst v4  }
0xec: {  	v22 =	vor.u32 $0x13, v30;
	v54 =	vor.u32 $0x15, v30;
	s6 =	sor.u32 s20, s1;
	v7 =	vld.idx.msk [tilespmem:v15+s3+$0x0], $0xffff;
	v15 =	vor.u32 $0xD, v2;
	[tilespmem:s10+$0x0] =	vst v16;
	s8 =	sadd.s32 $0xE780, s23;
	s10 =	sor.u32 s20, s17  }
0xed: {  	v53 =	vor.u32 $0x16, v30;
	v61 =	vor.u32 $0x17, v30;
	v42 =	vor.u32 $0x1C, v30;
	[tilespmem:s13+$0x0] =	vst v6;
	s23 =	sadd.s32 $0xA600, s15;
	v8 =	vld.idx.msk [tilespmem:v17+s3+$0x0], $0xffff;
	s22 =	sor.u32 s22, s8;
	s17 =	sor.u32 s19, s8  }
0xee: {  	v57 =	vor.u32 $0x1D, v30;
	v32 =	vor.u32 $0x1E, v30;
	v20 =	vor.u32 $0x19, v28;
	s19 =	smov.u32 s12;
	s1 =	sor.u32 s20, s8;
	s20 =	smov.u32 s15;
	v9 =	vld.idx.msk [tilespmem:v10+s3+$0x0], $0xffff;
	[tilespmem:s14+$0x0] =	vst v11  }
0xef: {  	v19 =	vor.u32 $0x19, v30;
	v21 =	vor.u32 $0x18, v30;
	v18 =	vor.u32 $0x1A, v30;
	s18 =	sor.u32 s12, s23;
	s13 =	sor.u32 s16, s23;
	v4 =	vld.idx.msk [tilespmem:v14+s3+$0x0], $0xffff;
	[dreg:$0x7] =	wrdreg s17  }
0xf0: {  	v16 =	vor.u32 $0x1B, v30;
	v17 =	vor.u32 $0x1A, v28;
	s15 =	simm.s32 $0x4;
	s16 =	simm.s32 $0x8080;
	v11 =	vor.u32 $0xD, v1;
	s14 =	sor.u32 s24, s23;
	[tilespmem:s18+$0x0] =	vst v13;
	v5 =	vld.idx.msk [tilespmem:v5+s3+$0x0], $0xffff  }
0xf1: {  	s17 =	sor.u32 s25, s23;
	v14 =	vor.u32 $0x1F, v28;
	s18 =	sor.u32 s21, s8;
	v13 =	vor.u32 $0x1F, v30;
	[tilespmem:s22+$0x0] =	vst v12;
	v30 =	vor.u32 $0x1E, v28;
	s8 =	smov.u32 s24;
	v10 =	vld.idx.msk [tilespmem:v15+s3+$0x0], $0xffff  }
.LBB2_2:
0xf2: {  	[tilespmem:$0x1FE70] =	vst v21  }
0xf3: {  	[tilespmem:$0x1FEB0] =	vst v19  }
0xf4: {  	[tilespmem:$0x1FE80] =	vst v41  }
0xf5: {  	[tilespmem:$0x1FEE0] =	vst v20  }
0xf6: {  	[tilespmem:$0x1FF20] =	vst v18  }
0xf7: {  	v6 =	vld [tilespmem:s16+$0x0];
	[tilespmem:s13+$0x0] =	vst v9  }
0xf8: {  	s22 =	smov.u32 s25;
	s25 =	smov.u32 s20;
	[tilespmem:s17+$0x0] =	vst v7  }
0xf9: {  	s23 =	smov.u32 s19;
	s20 =	rddreg [dreg:$0x8];
	s12 =	sadd.s32 $0xA680, s25;
	[tilespmem:s14+$0x0] =	vst v8  }
0xfa: {  	v11 =	vld.idx.msk [tilespmem:v11+s3+$0x0], $0xffff;
	s19 =	sor.u32 s23, s12;
	v7 =	vor.u32 $0x1B, v0;
	[tilespmem:s20+$0x0] =	vst v4  }
0xfb: {  	v12 =	vld.idx.msk [tilespmem:v49+s3+$0x0], $0xffff;
	v8 =	vor.u32 $0xE, v2;
	[tilespmem:s19+$0x0] =	vst v10  }
0xfc: {  	v4 =	vmov v43;
	v9 =	vld.idx.msk [tilespmem:v48+s3+$0x0], $0xffff;
	[tilespmem:s11+$0x0] =	vst v3  }
0xfd: {  	s21 =	smov.u32 s30;
	[tilespmem:$0x1FE50] =	vst v4;
	v4 =	vor.u32 $0xE, v1  }
0xfe: {  	[tilespmem:s26+$0x0] =	vst v5;
	s11 =	sor.u32 s21, s12;
	v3 =	vld.idx.msk [tilespmem:v40+s3+$0x0], $0xffff  }
0xff: {  	s17 =	sor.u32 s22, s12;
	v7 =	vld.idx.msk [tilespmem:v7+s3+$0x0], $0xffff;
	[tilespmem:s11+$0x0] =	vst v11  }
0x100: {  	s24 =	smov.u32 s8;
	v8 =	vld.idx.msk [tilespmem:v8+s3+$0x0], $0xffff;
	[tilespmem:s17+$0x0] =	vst v12;
	v12 =	vmov v42  }
0x101: {  	[dreg:$0x6] =	wrdreg s16;
	s16 =	sor.u32 s24, s12;
	v10 =	vld.idx.msk [tilespmem:v31+s3+$0x0], $0xffff;
	[tilespmem:$0x1FE00] =	vst v12  }
0x102: {  	[tilespmem:s16+$0x0] =	vst v9;
	v4 =	vld.idx.msk [tilespmem:v4+s3+$0x0], $0xffff  }
0x103: {  	v5 =	vor.u32 $0x1C, v0;
	v11 =	vld.idx.msk [tilespmem:v47+s3+$0x0], $0xffff;
	[tilespmem:s5+$0x0] =	vst v3  }
0x104: {  	s17 =	sadd.s32 $0xA700, s25;
	v12 =	vld.idx.msk [tilespmem:v46+s3+$0x0], $0xffff;
	v9 =	vor.u32 $0xF, v2;
	[tilespmem:s9+$0x0] =	vst v7;
	v7 =	vmov v39  }
0x105: {  	s26 =	sor.u32 s23, s17;
	[tilespmem:$0x1FF60] =	vst v7  }
0x106: {  	[tilespmem:s26+$0x0] =	vst v8  }
0x107: {  	s19 =	sor.u32 s21, s17;
	v3 =	vld.idx.msk [tilespmem:v33+s3+$0x0], $0xffff;
	[tilespmem:s7+$0x0] =	vst v10  }
0x108: {  	s20 =	sor.u32 s22, s17;
	v7 =	vor.u32 $0xF, v1;
	v5 =	vld.idx.msk [tilespmem:v5+s3+$0x0], $0xffff;
	[tilespmem:s19+$0x0] =	vst v4  }
0x109: {  	s8 =	sor.u32 s24, s17;
	v8 =	vld.idx.msk [tilespmem:v9+s3+$0x0], $0xffff;
	[tilespmem:s20+$0x0] =	vst v12  }
0x10a: {  	v12 =	vmov v57;
	[tilespmem:s8+$0x0] =	vst v11;
	v10 =	vld.idx.msk [tilespmem:v29+s3+$0x0], $0xffff  }
0x10b: {  	[tilespmem:$0x1FE10] =	vst v12;
	v12 =	vld.idx.msk [tilespmem:v62+s3+$0x0], $0xffff  }
0x10c: {  	v9 =	vor.u32 $0x1D, v0;
	v4 =	vld.idx.msk [tilespmem:v45+s3+$0x0], $0xffff;
	[tilespmem:s4+$0x0] =	vst v3  }
0x10d: {  	s13 =	sadd.s32 $0xA780, s25;
	v11 =	vor.u32 $0x10, v2;
	v7 =	vld.idx.msk [tilespmem:v7+s3+$0x0], $0xffff;
	[tilespmem:s0+$0x0] =	vst v5;
	v5 =	vmov v37  }
0x10e: {  	s17 =	sor.u32 s23, s13;
	[tilespmem:$0x1FE30] =	vst v5  }
0x10f: {  	[tilespmem:s17+$0x0] =	vst v8  }
0x110: {  	s19 =	sor.u32 s24, s13;
	v3 =	vld.idx.msk [tilespmem:v27+s3+$0x0], $0xffff;
	[tilespmem:s6+$0x0] =	vst v10  }
0x111: {  	s16 =	sor.u32 s22, s13;
	v5 =	vor.u32 $0x10, v1;
	v8 =	vld.idx.msk [tilespmem:v9+s3+$0x0], $0xffff;
	[tilespmem:s19+$0x0] =	vst v4  }
0x112: {  	v9 =	vld.idx.msk [tilespmem:v11+s3+$0x0], $0xffff;
	[tilespmem:s16+$0x0] =	vst v12;
	v12 =	vmov v32  }
0x113: {  	s14 =	sor.u32 s21, s13;
	v10 =	vor.u32 $0x1E, v0;
	v11 =	vld.idx.msk [tilespmem:v25+s3+$0x0], $0xffff;
	[tilespmem:$0x1FE20] =	vst v12  }
0x114: {  	v12 =	vld.idx.msk [tilespmem:v58+s3+$0x0], $0xffff;
	[tilespmem:s14+$0x0] =	vst v7  }
0x115: {  	s20 =	sadd.s32 $0xC400, s25;
	v4 =	vor.u32 $0x11, v2;
	v7 =	vld.idx.msk [tilespmem:v44+s3+$0x0], $0xffff;
	[tilespmem:s2+$0x0] =	vst v3  }
0x116: {  	s8 =	rddreg [dreg:$0x3];
	s7 =	sor.u32 s23, s20;
	v5 =	vld.idx.msk [tilespmem:v5+s3+$0x0], $0xffff;
	[tilespmem:s28+$0x0] =	vst v8  }
0x117: {  	v3 =	vld.idx.msk [tilespmem:v26+s3+$0x0], $0xffff;
	[tilespmem:s7+$0x0] =	vst v9;
	s7 =	sadd.s32 $0x40, s8  }
0x118: {  	[tilespmem:$0x1FF30] =	vst v17;
	v8 =	vld.idx.msk [tilespmem:v10+s3+$0x0], $0xffff;
	s19 =	sand.u32 $0x40, s7;
	s9 =	sand.u32 $0x380, s7;
	v10 =	vmov v13  }
0x119: {  	s5 =	sor.u32 $0x8000, s9;
	s30 =	sor.u32 $0x30, s19;
	[tilespmem:$0x1FE40] =	vst v10  }
0x11a: {  	s6 =	sor.u32 s22, s20;
	v4 =	vld.idx.msk [tilespmem:v4+s3+$0x0], $0xffff;
	[tilespmem:s10+$0x0] =	vst v11;
	s11 =	sor.u32 s30, s5  }
0x11b: {  	s0 =	sor.u32 s24, s20;
	[tilespmem:s6+$0x0] =	vst v12;
	v11 =	vld [tilespmem:s11+$0x0]  }
0x11c: {  	s9 =	sor.u32 $0x10, s19;
	s8 =	sor.u32 $0x20, s19;
	[tilespmem:s0+$0x0] =	vst v7;
	v9 =	vld.idx.msk [tilespmem:v24+s3+$0x0], $0xffff  }
0x11d: {  	s26 =	sor.u32 s21, s20;
	s12 =	sor.u32 s9, s5;
	s5 =	sor.u32 s8, s5;
	[tilespmem:s31+$0x0] =	vst v3;
	v10 =	vld.idx.msk [tilespmem:v50+s3+$0x0], $0xffff  }
0x11e: {  	v7 =	vor.u32 $0x12, v2;
	[tilespmem:s26+$0x0] =	vst v5;
	v13 =	vld [tilespmem:s5+$0x0]  }
0x11f: {  	s13 =	sadd.s32 $0xC480, s25;
	[tilespmem:s29+$0x0] =	vst v8;
	v8 =	vld.idx.msk [tilespmem:v35+s3+$0x0], $0xffff  }
0x120: {  	[tilespmem:$0x1FFB0] =	vst v16;
	s16 =	sor.u32 s23, s13;
	v12 =	vld [tilespmem:s12+$0x0]  }
0x121: {  	s15 =	sadd.s32 $0x4, s15;
	v5 =	vor.u32 $0x11, v1;
	[tilespmem:s16+$0x0] =	vst v4  }
0x122: {  	[dreg:$0x5] =	wrdreg s15;
	p1 =	slt.u32 s15, $0x3C;
	s15 =	sor.u32 s22, s13;
	[tilespmem:s1+$0x0] =	vst v9  }
0x123: {  	s17 =	sor.u32 s24, s13;
	v4 =	vor.u32 $0x1F, v0;
	v0 =	vmovc v1;
	v1 =	vshll.u32 v6, $0x5;
	v6 =	vld.idx.msk [tilespmem:v7+s3+$0x0], $0xffff;
	v21 =	vshll.u32 v13, $0x5;
	[tilespmem:s15+$0x0] =	vst v10  }
0x124: {  	v50 =	vshll.u32 v11, $0x5;
	v13 =	vld.idx.msk [tilespmem:v23+s3+$0x0], $0xffff;
	[tilespmem:s17+$0x0] =	vst v8;
	v23 =	vor.u32 $0x9, v21  }
0x125: {  	v32 =	vshll.u32 v12, $0x5;
	v31 =	vor.u32 $0x1A, v21;
	[tilespmem:$0x1FEA0] =	vst v23  }
0x126: {  	v9 =	vld.idx.msk [tilespmem:v5+s3+$0x0], $0xffff;
	v37 =	vor.u32 $0x1E, v32;
	[tilespmem:$0x1FF40] =	vst v31  }
0x127: {  	v20 =	vor.u32 $0x13, v2;
	s20 =	sadd.s32 $0xC500, s25;
	v23 =	vor.u32 $0xC, v32;
	[tilespmem:$0x1FF80] =	vst v37  }
0x128: {  	s10 =	sor.u32 s23, s20;
	v42 =	vld.idx.msk [tilespmem:v4+s3+$0x0], $0xffff;
	[tilespmem:$0x1FF70] =	vst v23  }
0x129: {  	v23 =	vor.u32 $0xB, v21;
	v43 =	vld.idx.msk [tilespmem:v50+s3+$0x0], $0xffff;
	[tilespmem:s10+$0x0] =	vst v6  }
0x12a: {  	s14 =	sor.u32 s21, s13;
	v19 =	vld.idx.msk [tilespmem:v34+s3+$0x0], $0xffff;
	[tilespmem:$0x1FF00] =	vst v23  }
0x12b: {  	s0 =	sor.u32 s21, s20;
	s11 =	rddreg [dreg:$0x4];
	v16 =	vor.u32 $0x12, v0;
	v38 =	vld.idx.msk [tilespmem:v1+s3+$0x0], $0xffff;
	v23 =	vor.u32 $0xC, v21;
	[tilespmem:s14+$0x0] =	vst v9  }
0x12c: {  	s26 =	sor.u32 s22, s20;
	s6 =	sor.u32 s24, s20;
	s12 =	sadd.s32 $0x200, s11;
	v6 =	vld.idx.msk [tilespmem:v20+s3+$0x0], $0xffff;
	v20 =	vor.u32 $0x8, v21;
	[tilespmem:$0x1FF90] =	vst v23  }
0x12d: {  	s20 =	sand.u32 $0x1C00, s12;
	s13 =	sor.u32 s12, s7;
	s15 =	rddreg [dreg:$0x7];
	[tilespmem:$0x1FE60] =	vst v20  }
0x12e: {  	s1 =	sor.u32 $0x380, s13;
	s14 =	sadd.s32 $0x8400, s20;
	[tilespmem:s15+$0x0] =	vst v42  }
0x12f: {  	[dreg:$0x9] =	wrdreg s1;
	v9 =	vld.idx.msk [tilespmem:v32+s3+$0x0], $0xffff;
	s1 =	sor.u32 s19, s14;
	[tilespmem:s26+$0x0] =	vst v19  }
0x130: {  	v19 =	vor.u32 $0x9, v32;
	v16 =	vld.idx.msk [tilespmem:v16+s3+$0x0], $0xffff;
	[tilespmem:s1+$0x0] =	vst v38  }
0x131: {  	[tilespmem:$0x1FE90] =	vst v19  }
0x132: {  	v10 =	vor.u32 $0x1, v1;
	v19 =	vld.idx.msk [tilespmem:v21+s3+$0x0], $0xffff;
	[tilespmem:s18+$0x0] =	vst v13;
	v13 =	vor.u32 $0xA, v32  }
0x133: {  	v20 =	vor.u32 $0x1, v50;
	s5 =	sor.u32 s30, s14;
	[tilespmem:$0x1FEC0] =	vst v13  }
0x134: {  	v13 =	vor.u32 $0xB, v32;
	[tilespmem:s5+$0x0] =	vst v43  }
0x135: {  	s4 =	sor.u32 s9, s14;
	[tilespmem:$0x1FEF0] =	vst v13  }
0x136: {  	s16 =	sadd.s32 $0xC580, s25;
	v33 =	vor.u32 $0x1, v32;
	v22 =	vld.idx.msk [tilespmem:v22+s3+$0x0], $0xffff;
	v13 =	vor.u32 $0xA, v21;
	[tilespmem:s4+$0x0] =	vst v9  }
0x137: {  	v52 =	vor.u32 $0x14, v2;
	v35 =	vmov v51;
	s17 =	sor.u32 s23, s16;
	v51 =	vld.idx.msk [tilespmem:v10+s3+$0x0], $0xffff;
	[tilespmem:$0x1FED0] =	vst v13  }
0x138: {  	v42 =	vld.idx.msk [tilespmem:v20+s3+$0x0], $0xffff;
	[tilespmem:s17+$0x0] =	vst v6;
	v6 =	vor.u32 $0x11, v32  }
0x139: {  	v36 =	vor.u32 $0x1, v21;
	v13 =	vld.idx.msk [tilespmem:v55+s3+$0x0], $0xffff;
	[tilespmem:$0x1FF10] =	vst v6  }
0x13a: {  	v41 =	vmovc v30;
	v57 =	vor.u32 $0x15, v2;
	v3 =	vor.u32 $0x13, v0;
	v30 =	vor.u32 $0x2, v1;
	s2 =	sor.u32 s8, s14;
	v9 =	vld [tilespmem:$0x1FFE0];
	[tilespmem:s0+$0x0] =	vst v16  }
0x13b: {  	v28 =	vor.u32 $0x2, v21;
	v43 =	vld.idx.msk [tilespmem:v33+s3+$0x0], $0xffff;
	v55 =	vor.u32 $0x2, v50;
	v6 =	vor.u32 $0x13, v32;
	[tilespmem:s2+$0x0] =	vst v19  }
0x13c: {  	v18 =	vor.u32 $0x3, v21;
	v34 =	vor.u32 $0x2, v32;
	v39 =	vld.idx.msk [tilespmem:v52+s3+$0x0], $0xffff;
	[tilespmem:$0x1FFA0] =	vst v6;
	v6 =	vor.u32 $0x12, v21  }
0x13d: {  	v40 =	vmovc v14;
	v14 =	vor.u32 $0x4, v21;
	v11 =	vor.u32 $0x5, v21;
	v8 =	vor.u32 $0x6, v21;
	[tilespmem:$0x1FF50] =	vst v6  }
0x13e: {  	v4 =	vor.u32 $0x7, v21;
	v48 =	vor.u32 $0xD, v21;
	v47 =	vor.u32 $0xE, v21;
	v36 =	vld.idx.msk [tilespmem:v36+s3+$0x0], $0xffff;
	[tilespmem:s6+$0x0] =	vst v13  }
0x13f: {  	s13 =	sadd.s32 $0xC600, s25;
	v45 =	vor.u32 $0xF, v21;
	v44 =	vor.u32 $0x10, v21;
	v25 =	vor.u32 $0x15, v21;
	v27 =	vld.idx.msk [tilespmem:v3+s3+$0x0], $0xffff;
	[tilespmem:s5+$0x80] =	vst v42  }
0x140: {  	v37 =	vor.u32 $0x1D, v21;
	v23 =	vor.u32 $0x14, v21;
	s15 =	sor.u32 s23, s13;
	v33 =	vor.u32 $0x11, v21;
	[tilespmem:s4+$0x80] =	vst v43;
	v29 =	vld.idx.msk [tilespmem:v55+s3+$0x0], $0xffff  }
0x141: {  	s26 =	sor.u32 s22, s16;
	v38 =	vmovc v53;
	v20 =	vor.u32 $0x16, v21;
	v3 =	vor.u32 $0x19, v21;
	v6 =	vor.u32 $0x13, v21;
	[tilespmem:s15+$0x0] =	vst v39;
	v53 =	vld.idx.msk [tilespmem:v34+s3+$0x0], $0xffff  }
0x142: {  	v13 =	vor.u32 $0x17, v21;
	v43 =	vor.u32 $0x1B, v21;
	v39 =	vor.u32 $0x1C, v21;
	[tilespmem:s26+$0x0] =	vst v22;
	v26 =	vld.idx.msk [tilespmem:v9+s3+$0x0], $0xffff;
	v9 =	vmovc v6  }
0x143: {  	v34 =	vor.u32 $0x1E, v21;
	v22 =	vor.u32 $0x1F, v21;
	[tilespmem:$0x1FFE0] =	vst v9;
	v9 =	vor.u32 $0x18, v21;
	v21 =	vld [tilespmem:$0x1FFD0]  }
0x144: {  	v31 =	vld.idx.msk [tilespmem:v57+s3+$0x0], $0xffff;
	[tilespmem:s2+$0x80] =	vst v36;
	v36 =	vmov v54;
	v54 =	vor.u32 $0x3, v50  }
0x145: {  	[tilespmem:s1+$0x80] =	vst v51;
	v51 =	vld.idx.msk [tilespmem:v28+s3+$0x0], $0xffff;
	v28 =	vor.u32 $0x16, v2  }
0x146: {  	[dreg:$0x3] =	wrdreg s7;
	s7 =	sor.u32 s24, s16;
	v52 =	vor.u32 $0x14, v32;
	[tilespmem:s5+$0x100] =	vst v29;
	v29 =	vld [tilespmem:$0x1FFF0]  }
0x147: {  	v17 =	vor.u32 $0x3, v32;
	s18 =	sor.u32 s21, s16;
	s16 =	sadd.s32 $0xC680, s25;
	v30 =	vld.idx.msk [tilespmem:v30+s3+$0x0], $0xffff;
	[tilespmem:s7+$0x0] =	vst v26;
	v26 =	vmov v52  }
0x148: {  	s17 =	sor.u32 s23, s16;
	[tilespmem:$0x1FFD0] =	vst v26;
	v26 =	vor.u32 $0x3, v1  }
0x149: {  	v52 =	vmov v23;
	v23 =	vld.idx.msk [tilespmem:v54+s3+$0x0], $0xffff;
	[tilespmem:s17+$0x0] =	vst v31  }
0x14a: {  	[tilespmem:$0x1FFF0] =	vst v52;
	v52 =	vor.u32 $0x14, v0;
	v28 =	vld.idx.msk [tilespmem:v28+s3+$0x0], $0xffff  }
0x14b: {  	v21 =	vld.idx.msk [tilespmem:v21+s3+$0x0], $0xffff;
	[tilespmem:s4+$0x100] =	vst v53  }
0x14c: {  	[tilespmem:s1+$0x100] =	vst v30;
	v31 =	vor.u32 $0x4, v50;
	v17 =	vld.idx.msk [tilespmem:v17+s3+$0x0], $0xffff  }
0x14d: {  	v26 =	vld.idx.msk [tilespmem:v26+s3+$0x0], $0xffff  }
0x14e: {  	v30 =	vor.u32 $0x17, v2;
	[tilespmem:s18+$0x0] =	vst v27;
	v29 =	vld.idx.msk [tilespmem:v29+s3+$0x0], $0xffff  }
0x14f: {  	s18 =	sadd.s32 $0xC700, s25;
	[tilespmem:s2+$0x100] =	vst v51;
	v27 =	vld.idx.msk [tilespmem:v52+s3+$0x0], $0xffff  }
0x150: {  	v15 =	vor.u32 $0x4, v32;
	v24 =	vor.u32 $0x15, v32;
	[tilespmem:s5+$0x180] =	vst v23;
	s26 =	sor.u32 s23, s18;
	v18 =	vld.idx.msk [tilespmem:v18+s3+$0x0], $0xffff  }
0x151: {  	s14 =	sor.u32 s22, s13;
	v54 =	vmov v24;
	v24 =	vld.idx.msk [tilespmem:v31+s3+$0x0], $0xffff;
	[tilespmem:s26+$0x0] =	vst v28  }
0x152: {  	v31 =	vld [tilespmem:$0x1FE00];
	[tilespmem:s14+$0x0] =	vst v21;
	v21 =	vor.u32 $0x4, v1  }
0x153: {  	v28 =	vld.idx.msk [tilespmem:v30+s3+$0x0], $0xffff  }
0x154: {  	p0 =	por !p0, !p0;
	[dreg:$0xa] =	wrdreg s9;
	s9 =	simm.s32 $0x1;
	v23 =	vld.idx.msk [tilespmem:v36+s3+$0x0], $0xffff;
	[tilespmem:s4+$0x180] =	vst v17  }
0x155: {  	s9 =	simm.s32 @!p0 $0x0;
	v17 =	vor.u32 $0x15, v0;
	v15 =	vld.idx.msk [tilespmem:v15+s3+$0x0], $0xffff;
	[tilespmem:s2+$0x180] =	vst v18  }
0x156: {  	v12 =	vor.u32 $0x5, v32;
	s0 =	sor.u32 s24, s13;
	s6 =	sor.u32 s21, s13;
	s13 =	sshll.u32 s9, $0x6;
	[tilespmem:s1+$0x180] =	vst v26;
	v14 =	vld.idx.msk [tilespmem:v14+s3+$0x0], $0xffff  }
0x157: {  	s1 =	sadd.s32 s13, s12;
	v18 =	vor.u32 $0x5, v50;
	v21 =	vld.idx.msk [tilespmem:v21+s3+$0x0], $0xffff  }
0x158: {  	s2 =	sadd.s32 $0x10, s1;
	[tilespmem:s0+$0x0] =	vst v29;
	v29 =	vld [tilespmem:$0x1FE10]  }
0x159: {  	v26 =	vor.u32 $0x18, v2;
	s9 =	sadd.s32 $0x30, s1;
	s14 =	sor.u32 $0x200, s2;
	[tilespmem:s6+$0x0] =	vst v27;
	v27 =	vld.idx.msk [tilespmem:v59+s3+$0x0], $0xffff  }
0x15a: {  	[dreg:$0xb] =	wrdreg s8;
	s11 =	sor.u32 s22, s16;
	s17 =	sor.u32 $0x200, s9;
	v17 =	vld.idx.msk [tilespmem:v17+s3+$0x0], $0xffff;
	[tilespmem:s14+$0x8400] =	vst v15  }
0x15b: {  	s5 =	sor.u32 s21, s18;
	s10 =	sor.u32 s22, s18;
	s6 =	sadd.s32 $0xC780, s25;
	[tilespmem:s17+$0x8400] =	vst v24;
	v59 =	vmov v25;
	v25 =	vor.u32 $0x5, v1;
	v12 =	vld.idx.msk [tilespmem:v12+s3+$0x0], $0xffff  }
0x15c: {  	s8 =	sor.u32 s24, s18;
	s4 =	sadd.s32 $0x20, s1;
	s18 =	sor.u32 s23, s6;
	[tilespmem:s11+$0x0] =	vst v23;
	v18 =	vld.idx.msk [tilespmem:v18+s3+$0x0], $0xffff  }
0x15d: {  	s29 =	sor.u32 $0x200, s4;
	[tilespmem:s18+$0x0] =	vst v28;
	v23 =	vld.idx.msk [tilespmem:v38+s3+$0x0], $0xffff  }
0x15e: {  	s26 =	sor.u32 $0x200, s1;
	v15 =	vld.idx.msk [tilespmem:v26+s3+$0x0], $0xffff;
	[tilespmem:s29+$0x8400] =	vst v14  }
0x15f: {  	v7 =	vor.u32 $0x6, v32;
	[tilespmem:s26+$0x8400] =	vst v21;
	v11 =	vld.idx.msk [tilespmem:v11+s3+$0x0], $0xffff  }
0x160: {  	[dreg:$0x4] =	wrdreg s12;
	s28 =	sor.u32 s24, s16;
	v24 =	vld.idx.msk [tilespmem:v25+s3+$0x0], $0xffff  }
0x161: {  	s7 =	sor.u32 s21, s16;
	s12 =	sor.u32 $0x280, s4;
	s16 =	sor.u32 $0x280, s2;
	v14 =	vor.u32 $0x6, v50;
	v25 =	vld [tilespmem:$0x1FE20];
	[tilespmem:s28+$0x0] =	vst v27  }
0x162: {  	s17 =	sor.u32 $0x380, s2;
	s14 =	sor.u32 $0x300, s2;
	s2 =	sor.u32 $0x280, s9;
	v21 =	vor.u32 $0x19, v2;
	v27 =	vld [tilespmem:$0x1FE30];
	[tilespmem:s16+$0x8400] =	vst v12  }
0x163: {  	v19 =	vor.u32 $0x16, v32;
	s13 =	sor.u32 $0x300, s4;
	s0 =	sor.u32 $0x380, s4;
	s4 =	sor.u32 s21, s6;
	[tilespmem:s2+$0x8400] =	vst v18;
	v18 =	vld.idx.msk [tilespmem:v60+s3+$0x0], $0xffff  }
0x164: {  	v53 =	vmov v19;
	v19 =	vor.u32 $0x6, v1;
	s31 =	sor.u32 s22, s6;
	s26 =	sor.u32 s24, s6;
	s6 =	sadd.s32 $0xE400, s25;
	v7 =	vld.idx.msk [tilespmem:v7+s3+$0x0], $0xffff  }
0x165: {  	s11 =	sor.u32 s23, s6;
	v60 =	vmov v20;
	v20 =	vor.u32 $0x16, v0;
	[tilespmem:s10+$0x0] =	vst v23;
	v23 =	vmov v40;
	v40 =	vld [tilespmem:$0x1FE50]  }
0x166: {  	v14 =	vld.idx.msk [tilespmem:v14+s3+$0x0], $0xffff;
	[tilespmem:s11+$0x0] =	vst v15  }
0x167: {  	s15 =	sor.u32 $0x280, s1;
	v12 =	vld.idx.msk [tilespmem:v21+s3+$0x0], $0xffff;
	[tilespmem:s12+$0x8400] =	vst v11;
	v11 =	vor.u32 $0x7, v50  }
0x168: {  	v5 =	vor.u32 $0x7, v32;
	[tilespmem:s15+$0x8400] =	vst v24;
	v8 =	vld.idx.msk [tilespmem:v8+s3+$0x0], $0xffff  }
0x169: {  	v19 =	vld.idx.msk [tilespmem:v19+s3+$0x0], $0xffff;
	[tilespmem:s7+$0x0] =	vst v17  }
0x16a: {  	v15 =	vor.u32 $0x1A, v2;
	s7 =	sor.u32 $0x300, s9;
	v17 =	vld.idx.msk [tilespmem:v20+s3+$0x0], $0xffff  }
0x16b: {  	[tilespmem:s7+$0x8400] =	vst v14;
	v14 =	vld.idx.msk [tilespmem:v61+s3+$0x0], $0xffff  }
0x16c: {  	s11 =	sadd.s32 $0xE480, s25;
	v20 =	vor.u32 $0x7, v1;
	[tilespmem:s14+$0x8400] =	vst v7;
	v11 =	vld.idx.msk [tilespmem:v11+s3+$0x0], $0xffff  }
0x16d: {  	s12 =	sor.u32 s23, s11;
	v5 =	vld.idx.msk [tilespmem:v5+s3+$0x0], $0xffff;
	[tilespmem:s13+$0x8400] =	vst v8;
	v8 =	vor.u32 $0x8, v50  }
0x16e: {  	v63 =	vor.u32 $0x8, v32;
	s18 =	sor.u32 $0x300, s1;
	v24 =	vld [tilespmem:$0x1FE40];
	[tilespmem:s12+$0x0] =	vst v12  }
0x16f: {  	v12 =	vld.idx.msk [tilespmem:v15+s3+$0x0], $0xffff;
	[tilespmem:s18+$0x8400] =	vst v19  }
0x170: {  	v16 =	vor.u32 $0x17, v32;
	s14 =	sor.u32 $0x380, s9;
	v4 =	vld.idx.msk [tilespmem:v4+s3+$0x0], $0xffff;
	[tilespmem:s8+$0x0] =	vst v18  }
0x171: {  	v61 =	vmov v16;
	v16 =	vld.idx.msk [tilespmem:v20+s3+$0x0], $0xffff;
	[tilespmem:s14+$0x8400] =	vst v11  }
0x172: {  	s15 =	sadd.s32 $0xE500, s25;
	v7 =	vor.u32 $0x17, v0;
	[tilespmem:s17+$0x8400] =	vst v5;
	v8 =	vld.idx.msk [tilespmem:v8+s3+$0x0], $0xffff  }
0x173: {  	v15 =	vor.u32 $0x1B, v2;
	s18 =	sor.u32 s23, s15;
	[tilespmem:s5+$0x0] =	vst v17;
	v11 =	vld.idx.msk [tilespmem:v63+s3+$0x0], $0xffff  }
0x174: {  	v51 =	vmov v13;
	v13 =	vor.u32 $0x8, v1;
	[tilespmem:s18+$0x0] =	vst v12;
	v12 =	vld [tilespmem:$0x1FE60]  }
0x175: {  	[tilespmem:s31+$0x0] =	vst v14;
	v14 =	vld [tilespmem:$0x1FE70]  }
0x176: {  	v17 =	vld.idx.msk [tilespmem:v35+s3+$0x0], $0xffff;
	[tilespmem:s0+$0x8400] =	vst v4;
	v4 =	vor.u32 $0x9, v50  }
0x177: {  	s9 =	rddreg [dreg:$0x9];
	v7 =	vld.idx.msk [tilespmem:v7+s3+$0x0], $0xffff  }
0x178: {  	s12 =	sadd.s32 $0xA400, s20;
	v5 =	vld.idx.msk [tilespmem:v15+s3+$0x0], $0xffff;
	[tilespmem:s9+$0x8400] =	vst v16  }
0x179: {  	s13 =	sor.u32 s30, s12;
	v13 =	vld.idx.msk [tilespmem:v13+s3+$0x0], $0xffff  }
0x17a: {  	[tilespmem:s13+$0x0] =	vst v8;
	v8 =	vld [tilespmem:$0x1FE80]  }
0x17b: {  	v10 =	vor.u32 $0x18, v32;
	s1 =	sor.u32 s21, s11;
	s16 =	sor.u32 s21, s15;
	s14 =	sadd.s32 $0xE580, s25;
	v15 =	vor.u32 $0x1C, v2;
	v4 =	vld.idx.msk [tilespmem:v4+s3+$0x0], $0xffff  }
0x17c: {  	s29 =	sor.u32 s22, s11;
	v21 =	vmov v10;
	v10 =	vor.u32 $0x9, v1;
	[dreg:$0x8] =	wrdreg s16;
	s16 =	sor.u32 s23, s14;
	v12 =	vld.idx.msk [tilespmem:v12+s3+$0x0], $0xffff  }
0x17d: {  	v26 =	vmov v41;
	v41 =	vmov v9;
	v9 =	vor.u32 $0x18, v0;
	s10 =	sor.u32 s24, s11;
	s7 =	sor.u32 s19, s12;
	s17 =	rddreg [dreg:$0xa];
	[tilespmem:s16+$0x0] =	vst v5;
	v14 =	vld.idx.msk [tilespmem:v14+s3+$0x0], $0xffff  }
0x17e: {  	s11 =	sor.u32 s24, s15;
	s8 =	sor.u32 s22, s15;
	s15 =	sor.u32 s17, s12;
	[tilespmem:s7+$0x0] =	vst v13;
	v13 =	vld [tilespmem:$0x1FEA0]  }
0x17f: {  	[tilespmem:s15+$0x0] =	vst v11;
	v11 =	vld [tilespmem:$0x1FE90]  }
0x180: {  	v5 =	vld.idx.msk [tilespmem:v15+s3+$0x0], $0xffff  }
0x181: {  	s7 =	sadd.s32 $0xA480, s20;
	v10 =	vld.idx.msk [tilespmem:v10+s3+$0x0], $0xffff;
	[tilespmem:s4+$0x0] =	vst v7  }
0x182: {  	s18 =	rddreg [dreg:$0xb];
	[tilespmem:s26+$0x0] =	vst v17;
	s13 =	sor.u32 s30, s7;
	v7 =	vld.idx.msk [tilespmem:v9+s3+$0x0], $0xffff  }
0x183: {  	s0 =	sor.u32 s18, s12;
	v9 =	vor.u32 $0xA, v1;
	[tilespmem:s13+$0x0] =	vst v4;
	v4 =	vld [tilespmem:$0x1FEB0]  }
0x184: {  	v55 =	vor.u32 $0x1A, v32;
	v8 =	vld.idx.msk [tilespmem:v8+s3+$0x0], $0xffff;
	[tilespmem:s0+$0x0] =	vst v12;
	v12 =	vor.u32 $0xA, v50  }
0x185: {  	v18 =	vmov v55;
	v55 =	vld [tilespmem:$0x1FF50]  }
0x186: {  	s12 =	sor.u32 s19, s7;
	v13 =	vld.idx.msk [tilespmem:v13+s3+$0x0], $0xffff  }
0x187: {  	v15 =	vor.u32 $0x1D, v2;
	[tilespmem:s12+$0x0] =	vst v10;
	v11 =	vld.idx.msk [tilespmem:v11+s3+$0x0], $0xffff  }
0x188: {  	v6 =	vor.u32 $0x19, v32;
	s2 =	sor.u32 s22, s6;
	s16 =	sadd.s32 $0xE600, s25;
	v9 =	vld.idx.msk [tilespmem:v9+s3+$0x0], $0xffff  }
0x189: {  	v19 =	vmov v6;
	[tilespmem:s2+$0x0] =	vst v14;
	s2 =	sor.u32 s23, s16;
	v6 =	vld.idx.msk [tilespmem:v12+s3+$0x0], $0xffff  }
0x18a: {  	s5 =	sor.u32 s24, s14;
	s15 =	sor.u32 s18, s7;
	[tilespmem:s2+$0x0] =	vst v5;
	v5 =	vor.u32 $0x19, v0;
	v12 =	vld [tilespmem:$0x1FEC0]  }
0x18b: {  	s9 =	sor.u32 s21, s14;
	s26 =	sor.u32 s22, s14;
	s14 =	sor.u32 s17, s7;
	v4 =	vld.idx.msk [tilespmem:v4+s3+$0x0], $0xffff;
	[tilespmem:s15+$0x0] =	vst v13;
	v13 =	vor.u32 $0xB, v50  }
0x18c: {  	s28 =	sor.u32 s21, s6;
	s7 =	sor.u32 s22, s16;
	[tilespmem:s14+$0x0] =	vst v11;
	v11 =	vld.idx.msk [tilespmem:v15+s3+$0x0], $0xffff  }
0x18d: {  	v20 =	vmov v3;
	v3 =	vor.u32 $0xB, v1;
	s4 =	sor.u32 s24, s16;
	s0 =	sor.u32 s21, s16;
	v10 =	vld [tilespmem:$0x1FED0];
	s16 =	sadd.s32 $0xA500, s20  }
0x18e: {  	[tilespmem:s28+$0x0] =	vst v7;
	v7 =	vld [tilespmem:$0x1FEE0];
	s2 =	sor.u32 s30, s16  }
0x18f: {  	s13 =	sor.u32 s19, s16;
	s15 =	sadd.s32 $0xE680, s25;
	[tilespmem:s2+$0x0] =	vst v6;
	v5 =	vld.idx.msk [tilespmem:v5+s3+$0x0], $0xffff  }
0x190: {  	s12 =	sor.u32 s18, s16;
	s14 =	sor.u32 s17, s16;
	s16 =	sor.u32 s23, s15;
	[tilespmem:s13+$0x0] =	vst v9;
	v6 =	vld.idx.msk [tilespmem:v13+s3+$0x0], $0xffff  }
0x191: {  	[tilespmem:s16+$0x0] =	vst v11;
	v11 =	vld [tilespmem:$0x1FEF0]  }
0x192: {  	v13 =	vld.idx.msk [tilespmem:v3+s3+$0x0], $0xffff  }
0x193: {  	v3 =	vld [tilespmem:$0x1FF20]  }
0x194: {  	v14 =	vor.u32 $0x1E, v2;
	v12 =	vld.idx.msk [tilespmem:v12+s3+$0x0], $0xffff  }
0x195: {  	v10 =	vld.idx.msk [tilespmem:v10+s3+$0x0], $0xffff  }
0x196: {  	s6 =	sor.u32 s24, s6;
	v9 =	vld [tilespmem:$0x1FF00]  }
0x197: {  	v35 =	vmov v33;
	v33 =	vld [tilespmem:$0x1FF60];
	[tilespmem:s6+$0x0] =	vst v8  }
0x198: {  	v7 =	vld.idx.msk [tilespmem:v7+s3+$0x0], $0xffff  }
0x199: {  	v8 =	vld.idx.msk [tilespmem:v14+s3+$0x0], $0xffff;
	[tilespmem:s14+$0x0] =	vst v12  }
0x19a: {  	v11 =	vld.idx.msk [tilespmem:v11+s3+$0x0], $0xffff;
	[tilespmem:s29+$0x0] =	vst v4  }
0x19b: {  	[tilespmem:s12+$0x0] =	vst v10;
	s12 =	sadd.s32 $0xA580, s20;
	v14 =	vld.idx.msk [tilespmem:v3+s3+$0x0], $0xffff  }
0x19c: {  	s14 =	sor.u32 s30, s12;
	v3 =	vld [tilespmem:$0x1FF30]  }
0x19d: {  	v49 =	vor.u32 $0xD, v32;
	v46 =	vor.u32 $0xE, v32;
	v10 =	vor.u32 $0xC, v50;
	[tilespmem:s14+$0x0] =	vst v6;
	v6 =	vld [tilespmem:$0x1FF40]  }
0x19e: {  	v62 =	vor.u32 $0xF, v32;
	v56 =	vor.u32 $0x10, v32;
	v57 =	vor.u32 $0x1B, v32;
	v9 =	vld.idx.msk [tilespmem:v9+s3+$0x0], $0xffff  }
0x19f: {  	v58 =	vor.u32 $0x12, v32;
	v42 =	vor.u32 $0x1C, v32;
	[tilespmem:$0x1FFC0] =	vst v57;
	v12 =	vor.u32 $0x1F, v2;
	v2 =	vmovc v50;
	v50 =	vld [tilespmem:$0x1FF10]  }
0x1a0: {  	v57 =	vor.u32 $0x1D, v32;
	v32 =	vor.u32 $0x1F, v32;
	s28 =	sor.u32 s21, s15;
	s13 =	sor.u32 s19, s12;
	[tilespmem:s10+$0x0] =	vst v7;
	v7 =	vld [tilespmem:$0x1FF70];
	v4 =	vor.u32 $0xC, v1  }
0x1a1: {  	s6 =	sor.u32 s22, s15;
	s2 =	sor.u32 s24, s15;
	s15 =	sadd.s32 $0xE700, s25;
	[tilespmem:s13+$0x0] =	vst v13;
	v13 =	vmov v32;
	v32 =	vld [tilespmem:$0x1FF80]  }
0x1a2: {  	s14 =	sor.u32 s23, s15;
	v17 =	vmov v6;
	v6 =	vld.idx.msk [tilespmem:v10+s3+$0x0], $0xffff  }
0x1a3: {  	[tilespmem:s14+$0x0] =	vst v8;
	v8 =	vld [tilespmem:$0x1FF90]  }
0x1a4: {  	s16 =	sor.u32 s17, s12;
	s12 =	sor.u32 s18, s12;
	v3 =	vld.idx.msk [tilespmem:v3+s3+$0x0], $0xffff  }
0x1a5: {  	[tilespmem:s12+$0x0] =	vst v9;
	v9 =	vld.idx.msk [tilespmem:v4+s3+$0x0], $0xffff  }
0x1a6: {  	v10 =	vor.u32 $0x1A, v0;
	[tilespmem:s1+$0x0] =	vst v5;
	v5 =	vld [tilespmem:$0x1FFB0]  }
0x1a7: {  	s14 =	smov.u32 s19;
	s19 =	smov.u32 s30;
	v12 =	vld.idx.msk [tilespmem:v12+s3+$0x0], $0xffff;
	[tilespmem:s16+$0x0] =	vst v11;
	s12 =	sadd.s32 $0xA600, s20  }
0x1a8: {  	s31 =	sor.u32 s24, s15;
	s10 =	sor.u32 s22, s15;
	v15 =	vor.u32 $0xD, v2;
	v7 =	vld.idx.msk [tilespmem:v7+s3+$0x0], $0xffff;
	s1 =	sor.u32 s19, s12  }
0x1a9: {  	s29 =	sor.u32 s21, s15;
	s15 =	rddreg [dreg:$0x6];
	s30 =	smov.u32 s14;
	[tilespmem:s1+$0x0] =	vst v6;
	v6 =	vld [tilespmem:$0x1FFC0]  }
.Ltmp0:
0x1aa: {  	s16 =	sadd.s32 $0x40, s15;
	s15 =	sadd.s32 $0xE780, s25;
	[tilespmem:s8+$0x0] =	vst v14;
	v14 =	vmov v22;
	v22 =	vld [tilespmem:$0x1FFA0];
	(pc) =	sbr.rel @p1 .LBB2_2-.Ltmp0, $4  }
0x1ab: {  	s25 =	smov.u32 s17;
	s13 =	sor.u32 s14, s12;
	v4 =	vld.idx.msk [tilespmem:v10+s3+$0x0], $0xffff;
	s17 =	sor.u32 s17, s12  }
0x1ac: {  	s14 =	sor.u32 s18, s12;
	s12 =	sor.u32 s23, s15;
	s23 =	sor.u32 s21, s15;
	v8 =	vld.idx.msk [tilespmem:v8+s3+$0x0], $0xffff  }
0x1ad: {  	s8 =	smov.u32 s18;
	[dreg:$0x7] =	wrdreg s23;
	v10 =	vld.idx.msk [tilespmem:v15+s3+$0x0], $0xffff  }
0x1ae: {  	v30 =	vmovc v34;
	v34 =	vmovc v58;
	v58 =	vmov v56;
	v11 =	vor.u32 $0xD, v1;
	s18 =	sor.u32 s24, s15;
	s1 =	sor.u32 s22, s15;
	s15 =	rddreg [dreg:$0x5];
	[tilespmem:s12+$0x0] =	vst v12;
	v16 =	vmov v6;
	v5 =	vld.idx.msk [tilespmem:v5+s3+$0x0], $0xffff  }
0x1af: {  	_ =	sdelay $0x2  }
0x1b0: {  	[tilespmem:s17+$0x0] =	vst v7  }
0x1b1: {  	v15 =	vor.u32 $0xE, v2;
	[tilespmem:s13+$0x0] =	vst v9;
	v6 =	vld.idx.msk [tilespmem:v49+s3+$0x0], $0xffff  }
0x1b2: {  	v9 =	vld.idx.msk [tilespmem:v11+s3+$0x0], $0xffff;
	[tilespmem:s14+$0x0] =	vst v8  }
0x1b3: {  	s12 =	sadd.s32 $0xA680, s20;
	v28 =	vor.u32 $0xE, v1;
	v8 =	vld.idx.msk [tilespmem:v48+s3+$0x0], $0xffff  }
0x1b4: {  	s16 =	sor.u32 s19, s12  }
0x1b5: {  	s17 =	sor.u32 s25, s12;
	[tilespmem:s16+$0x0] =	vst v10  }
0x1b6: {  	s21 =	sor.u32 s8, s12;
	s12 =	sor.u32 s30, s12;
	v36 =	vld.idx.msk [tilespmem:v15+s3+$0x0], $0xffff;
	[tilespmem:s17+$0x0] =	vst v6  }
0x1b7: {  	[tilespmem:s12+$0x0] =	vst v9;
	v38 =	vld.idx.msk [tilespmem:v46+s3+$0x0], $0xffff;
	v46 =	vor.u32 $0xF, v2  }
0x1b8: {  	v48 =	vld.idx.msk [tilespmem:v28+s3+$0x0], $0xffff;
	[tilespmem:s21+$0x0] =	vst v8  }
0x1b9: {  	s22 =	sadd.s32 $0xA700, s20;
	v49 =	vor.u32 $0xF, v1;
	v47 =	vld.idx.msk [tilespmem:v47+s3+$0x0], $0xffff  }
0x1ba: {  	s23 =	sor.u32 s19, s22  }
0x1bb: {  	s24 =	sor.u32 s25, s22;
	[tilespmem:s23+$0x0] =	vst v36  }
0x1bc: {  	s12 =	sor.u32 s30, s22;
	[tilespmem:s24+$0x0] =	vst v38;
	v6 =	vld.idx.msk [tilespmem:v46+s3+$0x0], $0xffff  }
0x1bd: {  	v52 =	vor.u32 $0x10, v2;
	s14 =	sor.u32 s8, s22;
	[tilespmem:s12+$0x0] =	vst v48;
	v7 =	vld.idx.msk [tilespmem:v62+s3+$0x0], $0xffff  }
0x1be: {  	v10 =	vld.idx.msk [tilespmem:v49+s3+$0x0], $0xffff;
	[tilespmem:s14+$0x0] =	vst v47  }
0x1bf: {  	v56 =	vor.u32 $0x10, v1;
	s16 =	sadd.s32 $0xA780, s20;
	v9 =	vld.idx.msk [tilespmem:v45+s3+$0x0], $0xffff  }
0x1c0: {  	s17 =	sor.u32 s19, s16  }
0x1c1: {  	s21 =	sor.u32 s25, s16;
	[tilespmem:s17+$0x0] =	vst v6  }
0x1c2: {  	s12 =	sor.u32 s30, s16;
	[tilespmem:s21+$0x0] =	vst v7;
	v6 =	vld.idx.msk [tilespmem:v52+s3+$0x0], $0xffff  }
0x1c3: {  	s22 =	sor.u32 s8, s16;
	v62 =	vor.u32 $0x11, v2;
	[tilespmem:s12+$0x0] =	vst v10;
	v7 =	vld.idx.msk [tilespmem:v58+s3+$0x0], $0xffff  }
0x1c4: {  	v10 =	vld.idx.msk [tilespmem:v56+s3+$0x0], $0xffff;
	[tilespmem:s22+$0x0] =	vst v9  }
0x1c5: {  	v63 =	vor.u32 $0x11, v1;
	s23 =	sadd.s32 $0xC400, s20;
	v9 =	vld.idx.msk [tilespmem:v44+s3+$0x0], $0xffff  }
0x1c6: {  	s24 =	sor.u32 s19, s23  }
0x1c7: {  	s14 =	sor.u32 s25, s23;
	[tilespmem:s24+$0x0] =	vst v6  }
0x1c8: {  	s12 =	sor.u32 s30, s23;
	[tilespmem:s14+$0x0] =	vst v7;
	v6 =	vld.idx.msk [tilespmem:v62+s3+$0x0], $0xffff  }
0x1c9: {  	v12 =	vor.u32 $0x12, v2;
	s16 =	sor.u32 s8, s23;
	[tilespmem:s12+$0x0] =	vst v10;
	v7 =	vld.idx.msk [tilespmem:v50+s3+$0x0], $0xffff  }
0x1ca: {  	v10 =	vld.idx.msk [tilespmem:v63+s3+$0x0], $0xffff;
	[tilespmem:s16+$0x0] =	vst v9  }
0x1cb: {  	v15 =	vor.u32 $0x12, v1;
	s17 =	sadd.s32 $0xC480, s20;
	v9 =	vld.idx.msk [tilespmem:v35+s3+$0x0], $0xffff  }
0x1cc: {  	s21 =	sor.u32 s19, s17  }
0x1cd: {  	s22 =	sor.u32 s25, s17;
	[tilespmem:s21+$0x0] =	vst v6  }
0x1ce: {  	s12 =	sor.u32 s30, s17;
	[tilespmem:s22+$0x0] =	vst v7;
	v6 =	vld.idx.msk [tilespmem:v12+s3+$0x0], $0xffff  }
0x1cf: {  	s23 =	sor.u32 s8, s17;
	[tilespmem:s12+$0x0] =	vst v10;
	v7 =	vld.idx.msk [tilespmem:v34+s3+$0x0], $0xffff  }
0x1d0: {  	v10 =	vld.idx.msk [tilespmem:v15+s3+$0x0], $0xffff;
	[tilespmem:s23+$0x0] =	vst v9  }
0x1d1: {  	s24 =	sadd.s32 $0xC500, s20;
	v9 =	vld.idx.msk [tilespmem:v55+s3+$0x0], $0xffff  }
0x1d2: {  	s14 =	sor.u32 s19, s24  }
0x1d3: {  	s16 =	sor.u32 s25, s24;
	[tilespmem:s14+$0x0] =	vst v6  }
0x1d4: {  	s12 =	sor.u32 s30, s24;
	[tilespmem:s16+$0x0] =	vst v7  }
0x1d5: {  	s17 =	sor.u32 s8, s24;
	[tilespmem:s12+$0x0] =	vst v10  }
0x1d6: {  	v28 =	vor.u32 $0x13, v2;
	[tilespmem:s17+$0x0] =	vst v9  }
0x1d7: {  	v9 =	vld [tilespmem:$0x1FFE0];
	_ =	sdelay $0x3  }
0x1d8: {  	v6 =	vld.idx.msk [tilespmem:v28+s3+$0x0], $0xffff  }
0x1d9: {  	v36 =	vld.idx.msk [tilespmem:v22+s3+$0x0], $0xffff;
	_ =	sdelay $0x1  }
0x1da: {  	s21 =	sadd.s32 $0xC580, s20  }
0x1db: {  	s22 =	sor.u32 s19, s21;
	v34 =	vor.u32 $0x13, v1;
	v9 =	vld.idx.msk [tilespmem:v9+s3+$0x0], $0xffff  }
0x1dc: {  	s23 =	sor.u32 s25, s21;
	[tilespmem:s22+$0x0] =	vst v6  }
0x1dd: {  	[tilespmem:s23+$0x0] =	vst v36  }
0x1de: {  	v8 =	vld [tilespmem:$0x1FFD0]  }
0x1df: {  	s24 =	sor.u32 s8, s21  }
0x1e0: {  	v35 =	vor.u32 $0x14, v2;
	v10 =	vld.idx.msk [tilespmem:v34+s3+$0x0], $0xffff;
	[tilespmem:s24+$0x0] =	vst v9  }
0x1e1: {  	v9 =	vld [tilespmem:$0x1FFF0]  }
0x1e2: {  	v38 =	vor.u32 $0x14, v1;
	_ =	sdelay $0x2  }
0x1e3: {  	s12 =	sor.u32 s30, s21;
	v6 =	vld.idx.msk [tilespmem:v35+s3+$0x0], $0xffff  }
0x1e4: {  	v44 =	vor.u32 $0x15, v2;
	v8 =	vld.idx.msk [tilespmem:v8+s3+$0x0], $0xffff;
	[tilespmem:s12+$0x0] =	vst v10  }
0x1e5: {  	v10 =	vld.idx.msk [tilespmem:v38+s3+$0x0], $0xffff  }
0x1e6: {  	v45 =	vor.u32 $0x15, v1;
	s14 =	sadd.s32 $0xC600, s20  }
0x1e7: {  	s16 =	sor.u32 s19, s14;
	v9 =	vld.idx.msk [tilespmem:v9+s3+$0x0], $0xffff  }
0x1e8: {  	s17 =	sor.u32 s25, s14;
	[tilespmem:s16+$0x0] =	vst v6  }
0x1e9: {  	s12 =	sor.u32 s30, s14;
	v6 =	vld.idx.msk [tilespmem:v44+s3+$0x0], $0xffff;
	[tilespmem:s17+$0x0] =	vst v8  }
0x1ea: {  	v46 =	vor.u32 $0x16, v2;
	v8 =	vld.idx.msk [tilespmem:v54+s3+$0x0], $0xffff;
	[tilespmem:s12+$0x0] =	vst v10  }
0x1eb: {  	s21 =	sor.u32 s8, s14;
	v10 =	vld.idx.msk [tilespmem:v45+s3+$0x0], $0xffff  }
0x1ec: {  	v47 =	vor.u32 $0x16, v1;
	s22 =	sadd.s32 $0xC680, s20;
	[tilespmem:s21+$0x0] =	vst v9  }
0x1ed: {  	s23 =	sor.u32 s19, s22;
	v9 =	vld.idx.msk [tilespmem:v59+s3+$0x0], $0xffff  }
0x1ee: {  	s24 =	sor.u32 s25, s22;
	[tilespmem:s23+$0x0] =	vst v6  }
0x1ef: {  	s12 =	sor.u32 s30, s22;
	v6 =	vld.idx.msk [tilespmem:v46+s3+$0x0], $0xffff;
	[tilespmem:s24+$0x0] =	vst v8  }
0x1f0: {  	v48 =	vor.u32 $0x17, v2;
	v8 =	vld.idx.msk [tilespmem:v53+s3+$0x0], $0xffff;
	[tilespmem:s12+$0x0] =	vst v10  }
0x1f1: {  	s14 =	sor.u32 s8, s22;
	v10 =	vld.idx.msk [tilespmem:v47+s3+$0x0], $0xffff  }
0x1f2: {  	v49 =	vor.u32 $0x17, v1;
	s16 =	sadd.s32 $0xC700, s20;
	[tilespmem:s14+$0x0] =	vst v9  }
0x1f3: {  	s17 =	sor.u32 s19, s16;
	v9 =	vld.idx.msk [tilespmem:v60+s3+$0x0], $0xffff  }
0x1f4: {  	[tilespmem:s17+$0x0] =	vst v6;
	s21 =	sor.u32 s25, s16  }
0x1f5: {  	s12 =	sor.u32 s30, s16;
	v6 =	vld.idx.msk [tilespmem:v48+s3+$0x0], $0xffff;
	[tilespmem:s21+$0x0] =	vst v8  }
0x1f6: {  	v50 =	vor.u32 $0x18, v2;
	v8 =	vld.idx.msk [tilespmem:v61+s3+$0x0], $0xffff;
	[tilespmem:s12+$0x0] =	vst v10  }
0x1f7: {  	s22 =	sor.u32 s8, s16;
	v10 =	vld.idx.msk [tilespmem:v49+s3+$0x0], $0xffff  }
0x1f8: {  	v52 =	vor.u32 $0x18, v1;
	s23 =	sadd.s32 $0xC780, s20;
	[tilespmem:s22+$0x0] =	vst v9  }
0x1f9: {  	s24 =	sor.u32 s19, s23;
	v9 =	vld.idx.msk [tilespmem:v51+s3+$0x0], $0xffff  }
0x1fa: {  	s13 =	sor.u32 s25, s23;
	[tilespmem:s24+$0x0] =	vst v6  }
0x1fb: {  	s16 =	sor.u32 s30, s23;
	v7 =	vld.idx.msk [tilespmem:v50+s3+$0x0], $0xffff;
	[tilespmem:s13+$0x0] =	vst v8  }
0x1fc: {  	v54 =	vor.u32 $0x19, v2;
	v55 =	vld.idx.msk [tilespmem:v21+s3+$0x0], $0xffff;
	[tilespmem:s16+$0x0] =	vst v10  }
0x1fd: {  	[tilespmem:s11+$0x0] =	vst v3;
	s14 =	sor.u32 s8, s23;
	v3 =	vld.idx.msk [tilespmem:v52+s3+$0x0], $0xffff  }
0x1fe: {  	v58 =	vld.idx.msk [tilespmem:v40+s3+$0x0], $0xffff;
	v59 =	vor.u32 $0x19, v1;
	s21 =	sadd.s32 $0xE400, s20;
	[tilespmem:s14+$0x0] =	vst v9  }
0x1ff: {  	s22 =	sor.u32 s19, s21;
	v56 =	vld.idx.msk [tilespmem:v41+s3+$0x0], $0xffff;
	s17 =	rddreg [dreg:$0x8];
	[tilespmem:s26+$0x0] =	vst v5  }
0x200: {  	s23 =	sor.u32 s25, s21;
	[tilespmem:s22+$0x0] =	vst v7  }
0x201: {  	s15 =	smov.u32 s8;
	s8 =	sor.u32 s30, s21;
	[tilespmem:s23+$0x0] =	vst v55;
	v7 =	vld.idx.msk [tilespmem:v54+s3+$0x0], $0xffff  }
0x202: {  	v60 =	vor.u32 $0x1A, v2;
	[tilespmem:s8+$0x0] =	vst v3;
	v9 =	vld.idx.msk [tilespmem:v19+s3+$0x0], $0xffff  }
0x203: {  	s24 =	sor.u32 s15, s21;
	[tilespmem:s5+$0x0] =	vst v58;
	v62 =	vld.idx.msk [tilespmem:v59+s3+$0x0], $0xffff  }
0x204: {  	v53 =	vor.u32 $0x1B, v0;
	s26 =	sadd.s32 $0xE480, s20;
	v63 =	vld.idx.msk [tilespmem:v31+s3+$0x0], $0xffff;
	[tilespmem:s24+$0x0] =	vst v56  }
0x205: {  	v12 =	vor.u32 $0x1A, v1;
	[tilespmem:s17+$0x0] =	vst v4;
	s11 =	sor.u32 s19, s26;
	v61 =	vld.idx.msk [tilespmem:v20+s3+$0x0], $0xffff  }
0x206: {  	v19 =	vld.idx.msk [tilespmem:v33+s3+$0x0], $0xffff;
	s12 =	sor.u32 s25, s26;
	[tilespmem:s11+$0x0] =	vst v7  }
0x207: {  	s5 =	sor.u32 s30, s26;
	[tilespmem:s12+$0x0] =	vst v9;
	v7 =	vld.idx.msk [tilespmem:v60+s3+$0x0], $0xffff  }
0x208: {  	v20 =	vor.u32 $0x1B, v2;
	[tilespmem:s5+$0x0] =	vst v62;
	v21 =	vld.idx.msk [tilespmem:v18+s3+$0x0], $0xffff  }
0x209: {  	s13 =	sor.u32 s15, s26;
	v6 =	vld.idx.msk [tilespmem:v53+s3+$0x0], $0xffff;
	[tilespmem:s7+$0x0] =	vst v63  }
0x20a: {  	v15 =	vor.u32 $0x1C, v0;
	s14 =	sadd.s32 $0xE500, s20;
	v28 =	vld.idx.msk [tilespmem:v12+s3+$0x0], $0xffff;
	[tilespmem:s13+$0x0] =	vst v61  }
0x20b: {  	s16 =	sor.u32 s19, s14;
	v33 =	vor.u32 $0x1B, v1;
	[tilespmem:s4+$0x0] =	vst v19;
	v22 =	vld.idx.msk [tilespmem:v17+s3+$0x0], $0xffff  }
0x20c: {  	s17 =	sor.u32 s25, s14;
	v34 =	vld.idx.msk [tilespmem:v29+s3+$0x0], $0xffff;
	[tilespmem:s16+$0x0] =	vst v7  }
0x20d: {  	[tilespmem:s17+$0x0] =	vst v21;
	v3 =	vld.idx.msk [tilespmem:v20+s3+$0x0], $0xffff  }
0x20e: {  	v36 =	vor.u32 $0x1C, v2;
	s22 =	sor.u32 s30, s14;
	[tilespmem:s9+$0x0] =	vst v6;
	v8 =	vld.idx.msk [tilespmem:v16+s3+$0x0], $0xffff  }
0x20f: {  	s21 =	sor.u32 s15, s14;
	v31 =	vld.idx.msk [tilespmem:v15+s3+$0x0], $0xffff;
	[tilespmem:s22+$0x0] =	vst v28  }
0x210: {  	v35 =	vor.u32 $0x1D, v0;
	s23 =	sadd.s32 $0xE580, s20;
	v40 =	vld.idx.msk [tilespmem:v33+s3+$0x0], $0xffff;
	[tilespmem:s21+$0x0] =	vst v22  }
0x211: {  	s24 =	sor.u32 s19, s23;
	[tilespmem:s6+$0x0] =	vst v34;
	v38 =	vld.idx.msk [tilespmem:v43+s3+$0x0], $0xffff;
	v43 =	vor.u32 $0x1C, v1  }
0x212: {  	s26 =	sor.u32 s25, s23;
	v41 =	vld.idx.msk [tilespmem:v27+s3+$0x0], $0xffff;
	[tilespmem:s24+$0x0] =	vst v3  }
0x213: {  	[tilespmem:s26+$0x0] =	vst v8;
	v3 =	vld.idx.msk [tilespmem:v36+s3+$0x0], $0xffff  }
0x214: {  	v44 =	vor.u32 $0x1D, v2;
	[tilespmem:s0+$0x0] =	vst v31;
	s0 =	sor.u32 s30, s23;
	v45 =	vld.idx.msk [tilespmem:v42+s3+$0x0], $0xffff  }
0x215: {  	s5 =	sor.u32 s15, s23;
	v7 =	vld.idx.msk [tilespmem:v35+s3+$0x0], $0xffff;
	[tilespmem:s0+$0x0] =	vst v40  }
0x216: {  	s6 =	sadd.s32 $0xE600, s20;
	[tilespmem:s5+$0x0] =	vst v38;
	v47 =	vld.idx.msk [tilespmem:v43+s3+$0x0], $0xffff  }
0x217: {  	v49 =	vor.u32 $0x1D, v1;
	[tilespmem:s2+$0x0] =	vst v41;
	s7 =	sor.u32 s19, s6;
	v46 =	vld.idx.msk [tilespmem:v39+s3+$0x0], $0xffff  }
0x218: {  	v48 =	vld.idx.msk [tilespmem:v25+s3+$0x0], $0xffff;
	s8 =	sor.u32 s25, s6;
	[tilespmem:s7+$0x0] =	vst v3  }
0x219: {  	[tilespmem:s8+$0x0] =	vst v45;
	v3 =	vld.idx.msk [tilespmem:v44+s3+$0x0], $0xffff  }
0x21a: {  	v51 =	vor.u32 $0x1E, v2;
	s0 =	sor.u32 s30, s6;
	[tilespmem:s28+$0x0] =	vst v7;
	v5 =	vld.idx.msk [tilespmem:v57+s3+$0x0], $0xffff  }
0x21b: {  	v11 =	vld.idx.msk [tilespmem:v26+s3+$0x0], $0xffff;
	s9 =	sor.u32 s15, s6;
	[tilespmem:s0+$0x0] =	vst v47  }
0x21c: {  	v50 =	vor.u32 $0x1E, v0;
	s11 =	sadd.s32 $0xE680, s20;
	[tilespmem:s9+$0x0] =	vst v46;
	v7 =	vld.idx.msk [tilespmem:v49+s3+$0x0], $0xffff  }
0x21d: {  	v53 =	vor.u32 $0x1E, v1;
	s12 =	sor.u32 s19, s11;
	[tilespmem:s10+$0x0] =	vst v48;
	v6 =	vld.idx.msk [tilespmem:v37+s3+$0x0], $0xffff  }
0x21e: {  	s13 =	sor.u32 s25, s11;
	v54 =	vld.idx.msk [tilespmem:v24+s3+$0x0], $0xffff;
	[tilespmem:s12+$0x0] =	vst v3  }
0x21f: {  	[tilespmem:s13+$0x0] =	vst v5;
	v3 =	vld.idx.msk [tilespmem:v51+s3+$0x0], $0xffff  }
0x220: {  	v56 =	vor.u32 $0x1F, v2;
	[tilespmem:s31+$0x0] =	vst v11;
	s0 =	sor.u32 s30, s11;
	v57 =	vld.idx.msk [tilespmem:v32+s3+$0x0], $0xffff  }
0x221: {  	s14 =	sor.u32 s15, s11;
	v52 =	vld.idx.msk [tilespmem:v50+s3+$0x0], $0xffff;
	[tilespmem:s0+$0x0] =	vst v7  }
0x222: {  	v55 =	vor.u32 $0x1F, v0;
	s16 =	sadd.s32 $0xE700, s20;
	[tilespmem:s14+$0x0] =	vst v6;
	v59 =	vld.idx.msk [tilespmem:v53+s3+$0x0], $0xffff  }
0x223: {  	v61 =	vor.u32 $0x1F, v1;
	s17 =	sor.u32 s19, s16;
	[tilespmem:s1+$0x0] =	vst v54;
	v58 =	vld.idx.msk [tilespmem:v30+s3+$0x0], $0xffff  }
0x224: {  	s21 =	sor.u32 s25, s16;
	v60 =	vld.idx.msk [tilespmem:v23+s3+$0x0], $0xffff;
	[tilespmem:s17+$0x0] =	vst v3  }
0x225: {  	[tilespmem:s21+$0x0] =	vst v57;
	v2 =	vld.idx.msk [tilespmem:v56+s3+$0x0], $0xffff  }
0x226: {  	[tilespmem:s29+$0x0] =	vst v52;
	s0 =	sor.u32 s30, s16;
	v62 =	vld.idx.msk [tilespmem:v13+s3+$0x0], $0xffff  }
0x227: {  	s22 =	sor.u32 s15, s16;
	v0 =	vld.idx.msk [tilespmem:v55+s3+$0x0], $0xffff;
	[tilespmem:s0+$0x0] =	vst v59  }
0x228: {  	s23 =	sadd.s32 $0xE780, s20;
	[tilespmem:s22+$0x0] =	vst v58;
	v1 =	vld.idx.msk [tilespmem:v61+s3+$0x0], $0xffff  }
0x229: {  	s24 =	sor.u32 s19, s23;
	[tilespmem:s18+$0x0] =	vst v60;
	v63 =	vld.idx.msk [tilespmem:v14+s3+$0x0], $0xffff  }
0x22a: {  	s26 =	sor.u32 s25, s23;
	s1 =	rddreg [dreg:$0x7];
	[tilespmem:s24+$0x0] =	vst v2  }
0x22b: {  	[tilespmem:s26+$0x0] =	vst v62  }
0x22c: {  	s0 =	sor.u32 s30, s23;
	[tilespmem:s1+$0x0] =	vst v0  }
0x22d: {  	s28 =	sor.u32 s15, s23;
	[tilespmem:s0+$0x0] =	vst v1  }
0x22e: {  	[tilespmem:s28+$0x0] =	vst v63  }
0x22f: {  	s2 =	simm.s32 $0x1;
	s29 =	simm.s32 $0x8400;
	s0 =	rddreg [dreg:$0xd]  }
0x230: {  	[hbm4b:s0+s3] =	stream.linear.scatter [tilespmem:s29], [sflag:$0x1], $0x8000, $0x38;
	[tilespmem:$0x10400] =	vst v63  }
0x231: {  	_ =	swait.ge [sflag:s2], $0x8000  }
0x232: {  	s30 =	rddreg [dreg:$0xf]  }
0x233: {  	s31 =	rddreg [dreg:$0xe];
	s1 =	sadd.s32 $0x1, s30  }
0x234: {  	p0 =	sne.s32 s1, s31  }
.Ltmp1:
0x235: {  	_ = 	snop;
	(pc) =	sbr.rel @p0 .LBB2_1-.Ltmp1, $3  }
0x236: {  	_ =	sdelay $0x1  }
0x237: {  	[sflag:s2] =	ssyncset.done $0x0  }
0x238: {  	[sflag:s2] =	ssyncadd.s32 $0xFFFF8000  }
0x239: {  	_ =	sfence.sel $0x180000  }
0x23a: {  	[bflag:$0x0] =	sbarrier.arrive $0xFFFF  }
0x23b: {  	_ =	strace $0x90000047  }
0x23c: {  	s0 =	stileid.u32;
	[bflag:$0x2] =	sbarrier.arrive $0xFFFF  }
0x23d: {  	p0 =	sne.s32 s0, $0x0;
	s0 =	rddreg [dreg:$0x2]  }
0x23e: {  	s0 =	sadd.s32 @!p0 $0x100000, s0  }
0x23f: {  	[sflag:s0] =	ssyncadd.tile.s32 @!p0 $0x1;
	_ =	shalt  }
.Lfunc_end2:
_tile_overlayer_lowered:
.L_overlay_start_2:
0x240: {  	(tag) =	ssettag $0x2  }
0x241: {  	s0 =	rddreg [dreg:$0x0];
	s2 =	stileid.u32  }
0x242: {  	s1 =	rddreg [dreg:$0x1];
	p0 =	sne.s32 s2, $0x0  }
0x243: {  	s3 =	rddreg [dreg:$0x2];
	[bflag:$0x3] =	sbarrier.arrive $0xFFFF;
	s2 =	simm.s32 @!p0 $0x1C01  }
0x244: {  	[timem:s3], [sflag:s2] =	dma.local @!p0 [hbm:s0], s1  }
0x245: {  	s0 =	simm.s32 @!p0 $0x1  }
0x246: {  	_ =	swait.ge @!p0 [sflag:s0], s1  }
0x247: {  	s1 =	ssub.s32 @!p0 $0x0, s1;
	[sflag:s0] =	ssyncset.done @!p0 $0x0  }
0x248: {  	[sflag:s0] =	ssyncadd.s32 @!p0 s1  }
0x249: {  	[bflag:$0x3] =	sbarrier.arrive $0xFFFF  }
0x24a: {  	_ =	shalt  }

</sc_bundles>
